<compile_context>
chip_gen: v7x
topology: tpu7x:2x2x1
jax: 0.10.2.dev20260603
libtpu: 0.0.44.dev20260713+nightly
codegen_flags: <defaults>
</compile_context>

<pallas_src>
import functools

import jax
import jax.numpy as jnp
from jax import lax
from jax.experimental import pallas as pl
from jax.experimental.pallas import tpu as pltpu
from jax.experimental.pallas import tpu_sc as plsc

BATCH = 4096
SEQ = 200
EMBED = 64

_NC, _NS = 2, 16
_NW = _NC * _NS
_BROWS_W = BATCH // _NW
_BR = 1
_NG = _BROWS_W // _BR
_NSLOT = 8
_SPLITS = ((0, 104), (104, 96))


def _sc_embed(x, token_table, pos_table):
    mesh = plsc.VectorSubcoreMesh(
        core_axis_name="c", subcore_axis_name="s", num_cores=_NC, num_subcores=_NS
    )

    @functools.partial(
        pl.kernel,
        mesh=mesh,
        out_type=jax.ShapeDtypeStruct((BATCH, SEQ, EMBED), jnp.float32),
        scratch_types=[
            pltpu.VMEM((_BROWS_W, SEQ), jnp.int32),
            pltpu.VMEM_SHARED((SEQ + 8, EMBED), jnp.float32),
        ]
        + [pltpu.VMEM((_BR, SEQ, EMBED), jnp.float32)] * _NSLOT
        + [pltpu.SemaphoreType.DMA] * (3 * _NSLOT),
        compiler_params=pltpu.CompilerParams(use_tc_tiling_on_sc=False),
    )
    def k(x_hbm, tok_hbm, pos_hbm, out_hbm, idx_v, spos, *rest):
        bufs = rest[:_NSLOT]
        sems_i = rest[_NSLOT : 2 * _NSLOT]
        sems_t = rest[2 * _NSLOT : 3 * _NSLOT]
        sems_o = rest[3 * _NSLOT : 4 * _NSLOT]
        sid = lax.axis_index("s")
        wid = sid * _NC + lax.axis_index("c")
        row0 = wid * _BROWS_W
        pltpu.sync_copy(x_hbm.at[pl.ds(row0, _BROWS_W), :], idx_v)

        @pl.when(sid == 0)
        def _():
            pltpu.sync_copy(pos_hbm.at[pl.ds(0, SEQ + 8), :], spos)

        plsc.subcore_barrier()

        def fire_init(b):
            return [
                pltpu.async_copy(
                    spos.at[pl.ds(1, SEQ)], bufs[b].at[br], sems_i[b]
                )
                for br in range(_BR)
            ]

        def fire_tok(g, b):
            return [
                pltpu.async_copy(
                    tok_hbm.at[idx_v.at[g * _BR + br].at[pl.ds(off, ln)]],
                    bufs[b].at[br].at[pl.ds(off, ln)],
                    sems_t[b],
                    add=True,
                )
                for br in range(_BR)
                for off, ln in _SPLITS
            ]

        def fire_out(g, b):
            pltpu.async_copy(
                bufs[b], out_hbm.at[pl.ds(row0 + g * _BR, _BR)], sems_o[b]
            )

        def drain_out(b):
            pltpu.make_async_copy(
                bufs[b], out_hbm.at[pl.ds(row0, _BR)], sems_o[b]
            ).wait()

        def round_body(i, carry):
            g0 = i * _NSLOT
            d_i = [None] * _NSLOT
            d_t = [None] * _NSLOT
            for b in range(_NSLOT):

                @pl.when(i > 0)
                def _(b=b):
                    drain_out(b)

                d_i[b] = fire_init(b)
            for b in range(_NSLOT):
                for d in d_i[b]:
                    d.wait()
                d_t[b] = fire_tok(g0 + b, b)
            for b in range(_NSLOT):
                for d in d_t[b]:
                    d.wait()
                fire_out(g0 + b, b)
            return carry

        lax.fori_loop(0, _NG // _NSLOT, round_body, 0)
        for b in range(_NSLOT):
            drain_out(b)

    return k(x, token_table, pos_table)


def _mask_body(x_ref, m_ref):
    m_ref[...] = x_ref[...] != 0


def _mask(x):
    return pl.pallas_call(
        _mask_body,
        out_shape=jax.ShapeDtypeStruct((BATCH, SEQ), jnp.bool_),
        grid=(8,),
        in_specs=[pl.BlockSpec((BATCH // 8, SEQ), lambda i: (i, 0))],
        out_specs=pl.BlockSpec((BATCH // 8, SEQ), lambda i: (i, 0)),
    )(x)


def kernel(x, token_table, pos_table):
    out = _sc_embed(x, token_table, pos_table)
    mask = _mask(x)
    return out, mask

# --- scband reference (transcript-rebuilt; emitter-appended) ---
"""Pipeline reference for scband-token-and-position-embedding-mask-2714419331573 (READ-ONLY COPY).

The authoritative reference and input builder live on the scoring server;
editing this copy changes nothing except your own understanding.
"""

import jax, jax.numpy as jnp
import numpy as np

MAXLEN = 256
VOCAB = 100000
EMBED = 64
START_INDEX = 0
BATCH = 4096
SEQ = 200

# hardcoded positions array from the module: [0]*start_index + [1..200-start_index]
POSITIONS = jnp.asarray(np.array([0] * START_INDEX + [i + 1 for i in range(200 - START_INDEX)]), dtype=jnp.int32)


def setup_inputs(seed: int = 0) -> dict:
    key = jax.random.key(seed)
    k1, k2, k3 = jax.random.split(key, 3)
    x = jax.random.randint(k1, (BATCH, SEQ), 0, VOCAB, dtype=jnp.int32)
    token_table = jax.random.normal(k2, (VOCAB, EMBED), dtype=jnp.float32) * 0.05
    pos_table = jax.random.normal(k3, (MAXLEN, EMBED), dtype=jnp.float32) * 0.05
    return {"x": x, "token_table": token_table, "pos_table": pos_table}


def reference(x, token_table, pos_table):
    # positions embedding lookup: [200, EMBED]
    positions = jnp.take(pos_table, POSITIONS, axis=0)
    # mask from token embedding (mask_zero=True => mask = x != 0)
    mask = x != 0
    # token embedding gather: [B, 200, EMBED]
    tok = jnp.take(token_table, x, axis=0)
    out = tok + positions  # broadcast [200, EMBED] over batch
    return (out, mask)

if __name__ == "__main__":
    import jax
    _d = setup_inputs()
    print(jax.jit(kernel)(*tuple(_d.values())))

</pallas_src>

<mosaic_0001>
#map = affine_map<(d0, d1) -> (0, 0)>
#map1 = affine_map<(d0, d1) -> (0, 0, 0)>
module attributes {stable_mosaic.version = 14 : i64} {
  func.func @k(%arg0: i32, %arg1: i32, %arg2: memref<4096x200xi32, #tpu.memory_space<hbm>>, %arg3: memref<100000x64xf32, #tpu.memory_space<hbm>>, %arg4: memref<256x64xf32, #tpu.memory_space<hbm>>, %arg5: memref<4096x200x64xf32, #tpu.memory_space<hbm>>, %arg6: memref<128x200xi32, #tpu.memory_space<vmem>>, %arg7: memref<208x64xf32, #tpu.memory_space<vmem_shared>>, %arg8: memref<1x200x64xf32, #tpu.memory_space<vmem>>, %arg9: memref<1x200x64xf32, #tpu.memory_space<vmem>>, %arg10: memref<1x200x64xf32, #tpu.memory_space<vmem>>, %arg11: memref<1x200x64xf32, #tpu.memory_space<vmem>>, %arg12: memref<1x200x64xf32, #tpu.memory_space<vmem>>, %arg13: memref<1x200x64xf32, #tpu.memory_space<vmem>>, %arg14: memref<1x200x64xf32, #tpu.memory_space<vmem>>, %arg15: memref<1x200x64xf32, #tpu.memory_space<vmem>>, %arg16: memref<!tpu.dma_semaphore, #tpu.memory_space<semaphore_mem>>, %arg17: memref<!tpu.dma_semaphore, #tpu.memory_space<semaphore_mem>>, %arg18: memref<!tpu.dma_semaphore, #tpu.memory_space<semaphore_mem>>, %arg19: memref<!tpu.dma_semaphore, #tpu.memory_space<semaphore_mem>>, %arg20: memref<!tpu.dma_semaphore, #tpu.memory_space<semaphore_mem>>, %arg21: memref<!tpu.dma_semaphore, #tpu.memory_space<semaphore_mem>>, %arg22: memref<!tpu.dma_semaphore, #tpu.memory_space<semaphore_mem>>, %arg23: memref<!tpu.dma_semaphore, #tpu.memory_space<semaphore_mem>>, %arg24: memref<!tpu.dma_semaphore, #tpu.memory_space<semaphore_mem>>, %arg25: memref<!tpu.dma_semaphore, #tpu.memory_space<semaphore_mem>>, %arg26: memref<!tpu.dma_semaphore, #tpu.memory_space<semaphore_mem>>, %arg27: memref<!tpu.dma_semaphore, #tpu.memory_space<semaphore_mem>>, %arg28: memref<!tpu.dma_semaphore, #tpu.memory_space<semaphore_mem>>, %arg29: memref<!tpu.dma_semaphore, #tpu.memory_space<semaphore_mem>>, %arg30: memref<!tpu.dma_semaphore, #tpu.memory_space<semaphore_mem>>, %arg31: memref<!tpu.dma_semaphore, #tpu.memory_space<semaphore_mem>>, %arg32: memref<!tpu.dma_semaphore, #tpu.memory_space<semaphore_mem>>, %arg33: memref<!tpu.dma_semaphore, #tpu.memory_space<semaphore_mem>>, %arg34: memref<!tpu.dma_semaphore, #tpu.memory_space<semaphore_mem>>, %arg35: memref<!tpu.dma_semaphore, #tpu.memory_space<semaphore_mem>>, %arg36: memref<!tpu.dma_semaphore, #tpu.memory_space<semaphore_mem>>, %arg37: memref<!tpu.dma_semaphore, #tpu.memory_space<semaphore_mem>>, %arg38: memref<!tpu.dma_semaphore, #tpu.memory_space<semaphore_mem>>, %arg39: memref<!tpu.dma_semaphore, #tpu.memory_space<semaphore_mem>>) attributes {dimension_semantics = [#tpu.dimension_semantics<core_parallel>, #tpu.dimension_semantics<subcore_parallel>], iteration_bounds = array<i64: 2, 16>, scalar_prefetch = 0 : i64, scratch_operands = 34 : i64, tpu.core_type = #tpu.core_type<sc_vector_subcore>, window_params = [{transform_indices = #map}, {transform_indices = #map}, {transform_indices = #map}, {transform_indices = #map1}]} {
    %mul3A = arith.constant 2 : i32
    %mul3A_0 = arith.muli %arg1, %mul3A : i32
    %add3A = arith.addi %mul3A_0, %arg0 : i32
    %mul3A_1 = arith.constant 128 : i32
    %mul3A_2 = arith.muli %add3A, %mul3A_1 : i32
    "tpu.region"() ({
      %run_scoped3A = tpu.sem_alloc : memref<!tpu.dma_semaphore, #tpu.memory_space<semaphore_mem>>
      %dma_start3A = arith.constant 0 : i32
      %dma_start3A_57 = tpu.memref_slice %arg2[%mul3A_2, %dma_start3A] : memref<4096x200xi32, #tpu.memory_space<hbm>> -> memref<128x200xi32, #tpu.memory_space<hbm>>
      %dma_start3A_58 = arith.constant 0 : i32
      %dma_start3A_59 = tpu.memref_slice %arg2[%mul3A_2, %dma_start3A_58] : memref<4096x200xi32, #tpu.memory_space<hbm>> -> memref<128x200xi32, #tpu.memory_space<hbm>>
      tpu.enqueue_dma source(%dma_start3A_59 : memref<128x200xi32, #tpu.memory_space<hbm>>) target(%arg6 : memref<128x200xi32, #tpu.memory_space<vmem>>) target_semaphore(%run_scoped3A : memref<!tpu.dma_semaphore, #tpu.memory_space<semaphore_mem>>)
      %dma_wait3A_60 = arith.constant 0 : i32
      %dma_wait3A_61 = tpu.memref_slice %arg2[%mul3A_2, %dma_wait3A_60] : memref<4096x200xi32, #tpu.memory_space<hbm>> -> memref<128x200xi32, #tpu.memory_space<hbm>>
      %dma_wait3A_62 = arith.constant 0 : i32
      %dma_wait3A_63 = tpu.memref_slice %arg2[%mul3A_2, %dma_wait3A_62] : memref<4096x200xi32, #tpu.memory_space<hbm>> -> memref<128x200xi32, #tpu.memory_space<hbm>>
      tpu.wait_dma2 semaphore(%run_scoped3A : memref<!tpu.dma_semaphore, #tpu.memory_space<semaphore_mem>>) src(%dma_wait3A_63 : memref<128x200xi32, #tpu.memory_space<hbm>>) dst(%arg6 : memref<128x200xi32, #tpu.memory_space<vmem>>)
      tpu.yield
    }) : () -> ()
    %eq3A = arith.constant 0 : i32
    %eq3A_3 = arith.cmpi eq, %arg1, %eq3A : i32
    %convert_element_type3A = arith.extui %eq3A_3 : i1 to i32
    %cond3A = arith.constant 0 : i32
    %cond3A_4 = arith.cmpi ne, %convert_element_type3A, %cond3A : i32
    scf.if %cond3A_4 {
      "tpu.region"() ({
        %run_scoped3A = tpu.sem_alloc : memref<!tpu.dma_semaphore, #tpu.memory_space<semaphore_mem>>
        %dma_start3A = arith.constant 0 : i32
        %dma_start3A_57 = arith.constant 0 : i32
        %dma_start3A_58 = tpu.memref_slice %arg4[%dma_start3A, %dma_start3A_57] : memref<256x64xf32, #tpu.memory_space<hbm>> -> memref<208x64xf32, #tpu.memory_space<hbm>>
        tpu.enqueue_dma source(%dma_start3A_58 : memref<208x64xf32, #tpu.memory_space<hbm>>) target(%arg7 : memref<208x64xf32, #tpu.memory_space<vmem_shared>>) target_semaphore(%run_scoped3A : memref<!tpu.dma_semaphore, #tpu.memory_space<semaphore_mem>>)
        %dma_wait3A_59 = arith.constant 0 : i32
        %dma_wait3A_60 = arith.constant 0 : i32
        %dma_wait3A_61 = tpu.memref_slice %arg4[%dma_wait3A_59, %dma_wait3A_60] : memref<256x64xf32, #tpu.memory_space<hbm>> -> memref<208x64xf32, #tpu.memory_space<hbm>>
        tpu.wait_dma2 semaphore(%run_scoped3A : memref<!tpu.dma_semaphore, #tpu.memory_space<semaphore_mem>>) src(%dma_wait3A_61 : memref<208x64xf32, #tpu.memory_space<hbm>>) dst(%arg7 : memref<208x64xf32, #tpu.memory_space<vmem_shared>>)
        tpu.yield
      }) : () -> ()
    } else {
    }
    %barrier3A = arith.constant 0 : index
    tpu.barrier barrier_id(%barrier3A)
    %scan3A = arith.constant 0 : i32
    %scan3A_5 = arith.constant 0 : i32
    %scan3A_6 = arith.constant 16 : i32
    %scan3A_7 = arith.addi %scan3A_5, %scan3A_6 : i32
    %scan3A_8 = arith.constant 1 : i32
    scf.for %scan3A_57 = %scan3A_5 to %scan3A_7 step %scan3A_8  : i32 {
      %mul3A_58 = arith.constant 8 : i32
      %mul3A_59 = arith.muli %scan3A_57, %mul3A_58 : i32
      %gt3A = arith.constant 0 : i32
      %gt3A_60 = arith.cmpi sgt, %scan3A_57, %gt3A : i32
      %convert_element_type3A_61 = arith.extui %gt3A_60 : i1 to i32
      %cond3A_62 = arith.constant 0 : i32
      %cond3A_63 = arith.cmpi ne, %convert_element_type3A_61, %cond3A_62 : i32
      scf.if %cond3A_63 {
        %dma_wait3A_1018 = arith.constant 0 : i32
        %dma_wait3A_1019 = arith.constant 0 : i32
        %dma_wait3A_1020 = tpu.memref_slice %arg5[%mul3A_2, %dma_wait3A_1018, %dma_wait3A_1019] : memref<4096x200x64xf32, #tpu.memory_space<hbm>> -> memref<1x200x64xf32, #tpu.memory_space<hbm>>
        %dma_wait3A_1021 = arith.constant 0 : i32
        %dma_wait3A_1022 = arith.constant 0 : i32
        %dma_wait3A_1023 = tpu.memref_slice %arg5[%mul3A_2, %dma_wait3A_1021, %dma_wait3A_1022] : memref<4096x200x64xf32, #tpu.memory_space<hbm>> -> memref<1x200x64xf32, #tpu.memory_space<hbm>>
        tpu.wait_dma2 semaphore(%arg32 : memref<!tpu.dma_semaphore, #tpu.memory_space<semaphore_mem>>) src(%arg8 : memref<1x200x64xf32, #tpu.memory_space<vmem>>) dst(%dma_wait3A_1023 : memref<1x200x64xf32, #tpu.memory_space<hbm>>)
      } else {
      }
      %dma_start3A = arith.constant 0 : i32
      %dma_start3A_64 = arith.constant 0 : i32
      %dma_start3A_65 = arith.constant 0 : i32
      %dma_start3A_66 = tpu.memref_slice %arg8[%dma_start3A, %dma_start3A_64, %dma_start3A_65] : memref<1x200x64xf32, #tpu.memory_space<vmem>> -> memref<1x200x64xf32, #tpu.memory_space<vmem>>
      %dma_start3A_67 = tpu.memref_squeeze %dma_start3A_66 : memref<1x200x64xf32, #tpu.memory_space<vmem>> -> memref<200x64xf32, #tpu.memory_space<vmem>>
      %dma_start3A_68 = arith.constant 1 : i32
      %dma_start3A_69 = arith.constant 0 : i32
      %dma_start3A_70 = tpu.memref_slice %arg7[%dma_start3A_68, %dma_start3A_69] : memref<208x64xf32, #tpu.memory_space<vmem_shared>> -> memref<200x64xf32, #tpu.memory_space<vmem_shared>>
      %dma_start3A_71 = arith.constant 0 : i32
      %dma_start3A_72 = arith.constant 0 : i32
      %dma_start3A_73 = tpu.memref_slice %arg8[%dma_start3A, %dma_start3A_71, %dma_start3A_72] : memref<1x200x64xf32, #tpu.memory_space<vmem>> -> memref<1x200x64xf32, #tpu.memory_space<vmem>>
      %dma_start3A_74 = tpu.memref_squeeze %dma_start3A_73 : memref<1x200x64xf32, #tpu.memory_space<vmem>> -> memref<200x64xf32, #tpu.memory_space<vmem>>
      %dma_start3A_75 = arith.constant 1 : i32
      %dma_start3A_76 = arith.constant 0 : i32
      %dma_start3A_77 = tpu.memref_slice %arg7[%dma_start3A_75, %dma_start3A_76] : memref<208x64xf32, #tpu.memory_space<vmem_shared>> -> memref<200x64xf32, #tpu.memory_space<vmem_shared>>
      tpu.enqueue_dma source(%dma_start3A_77 : memref<200x64xf32, #tpu.memory_space<vmem_shared>>) target(%dma_start3A_74 : memref<200x64xf32, #tpu.memory_space<vmem>>) target_semaphore(%arg16 : memref<!tpu.dma_semaphore, #tpu.memory_space<semaphore_mem>>)
      %gt3A_78 = arith.constant 0 : i32
      %gt3A_79 = arith.cmpi sgt, %scan3A_57, %gt3A_78 : i32
      %convert_element_type3A_80 = arith.extui %gt3A_79 : i1 to i32
      %cond3A_81 = arith.constant 0 : i32
      %cond3A_82 = arith.cmpi ne, %convert_element_type3A_80, %cond3A_81 : i32
      scf.if %cond3A_82 {
        %dma_wait3A_1018 = arith.constant 0 : i32
        %dma_wait3A_1019 = arith.constant 0 : i32
        %dma_wait3A_1020 = tpu.memref_slice %arg5[%mul3A_2, %dma_wait3A_1018, %dma_wait3A_1019] : memref<4096x200x64xf32, #tpu.memory_space<hbm>> -> memref<1x200x64xf32, #tpu.memory_space<hbm>>
        %dma_wait3A_1021 = arith.constant 0 : i32
        %dma_wait3A_1022 = arith.constant 0 : i32
        %dma_wait3A_1023 = tpu.memref_slice %arg5[%mul3A_2, %dma_wait3A_1021, %dma_wait3A_1022] : memref<4096x200x64xf32, #tpu.memory_space<hbm>> -> memref<1x200x64xf32, #tpu.memory_space<hbm>>
        tpu.wait_dma2 semaphore(%arg33 : memref<!tpu.dma_semaphore, #tpu.memory_space<semaphore_mem>>) src(%arg9 : memref<1x200x64xf32, #tpu.memory_space<vmem>>) dst(%dma_wait3A_1023 : memref<1x200x64xf32, #tpu.memory_space<hbm>>)
      } else {
      }
      %dma_start3A_83 = arith.constant 0 : i32
      %dma_start3A_84 = arith.constant 0 : i32
      %dma_start3A_85 = arith.constant 0 : i32
      %dma_start3A_86 = tpu.memref_slice %arg9[%dma_start3A_83, %dma_start3A_84, %dma_start3A_85] : memref<1x200x64xf32, #tpu.memory_space<vmem>> -> memref<1x200x64xf32, #tpu.memory_space<vmem>>
      %dma_start3A_87 = tpu.memref_squeeze %dma_start3A_86 : memref<1x200x64xf32, #tpu.memory_space<vmem>> -> memref<200x64xf32, #tpu.memory_space<vmem>>
      %dma_start3A_88 = arith.constant 1 : i32
      %dma_start3A_89 = arith.constant 0 : i32
      %dma_start3A_90 = tpu.memref_slice %arg7[%dma_start3A_88, %dma_start3A_89] : memref<208x64xf32, #tpu.memory_space<vmem_shared>> -> memref<200x64xf32, #tpu.memory_space<vmem_shared>>
      %dma_start3A_91 = arith.constant 0 : i32
      %dma_start3A_92 = arith.constant 0 : i32
      %dma_start3A_93 = tpu.memref_slice %arg9[%dma_start3A_83, %dma_start3A_91, %dma_start3A_92] : memref<1x200x64xf32, #tpu.memory_space<vmem>> -> memref<1x200x64xf32, #tpu.memory_space<vmem>>
      %dma_start3A_94 = tpu.memref_squeeze %dma_start3A_93 : memref<1x200x64xf32, #tpu.memory_space<vmem>> -> memref<200x64xf32, #tpu.memory_space<vmem>>
      %dma_start3A_95 = arith.constant 1 : i32
      %dma_start3A_96 = arith.constant 0 : i32
      %dma_start3A_97 = tpu.memref_slice %arg7[%dma_start3A_95, %dma_start3A_96] : memref<208x64xf32, #tpu.memory_space<vmem_shared>> -> memref<200x64xf32, #tpu.memory_space<vmem_shared>>
      tpu.enqueue_dma source(%dma_start3A_97 : memref<200x64xf32, #tpu.memory_space<vmem_shared>>) target(%dma_start3A_94 : memref<200x64xf32, #tpu.memory_space<vmem>>) target_semaphore(%arg17 : memref<!tpu.dma_semaphore, #tpu.memory_space<semaphore_mem>>)
      %gt3A_98 = arith.constant 0 : i32
      %gt3A_99 = arith.cmpi sgt, %scan3A_57, %gt3A_98 : i32
      %convert_element_type3A_100 = arith.extui %gt3A_99 : i1 to i32
      %cond3A_101 = arith.constant 0 : i32
      %cond3A_102 = arith.cmpi ne, %convert_element_type3A_100, %cond3A_101 : i32
      scf.if %cond3A_102 {
        %dma_wait3A_1018 = arith.constant 0 : i32
        %dma_wait3A_1019 = arith.constant 0 : i32
        %dma_wait3A_1020 = tpu.memref_slice %arg5[%mul3A_2, %dma_wait3A_1018, %dma_wait3A_1019] : memref<4096x200x64xf32, #tpu.memory_space<hbm>> -> memref<1x200x64xf32, #tpu.memory_space<hbm>>
        %dma_wait3A_1021 = arith.constant 0 : i32
        %dma_wait3A_1022 = arith.constant 0 : i32
        %dma_wait3A_1023 = tpu.memref_slice %arg5[%mul3A_2, %dma_wait3A_1021, %dma_wait3A_1022] : memref<4096x200x64xf32, #tpu.memory_space<hbm>> -> memref<1x200x64xf32, #tpu.memory_space<hbm>>
        tpu.wait_dma2 semaphore(%arg34 : memref<!tpu.dma_semaphore, #tpu.memory_space<semaphore_mem>>) src(%arg10 : memref<1x200x64xf32, #tpu.memory_space<vmem>>) dst(%dma_wait3A_1023 : memref<1x200x64xf32, #tpu.memory_space<hbm>>)
      } else {
      }
      %dma_start3A_103 = arith.constant 0 : i32
      %dma_start3A_104 = arith.constant 0 : i32
      %dma_start3A_105 = arith.constant 0 : i32
      %dma_start3A_106 = tpu.memref_slice %arg10[%dma_start3A_103, %dma_start3A_104, %dma_start3A_105] : memref<1x200x64xf32, #tpu.memory_space<vmem>> -> memref<1x200x64xf32, #tpu.memory_space<vmem>>
      %dma_start3A_107 = tpu.memref_squeeze %dma_start3A_106 : memref<1x200x64xf32, #tpu.memory_space<vmem>> -> memref<200x64xf32, #tpu.memory_space<vmem>>
      %dma_start3A_108 = arith.constant 1 : i32
      %dma_start3A_109 = arith.constant 0 : i32
      %dma_start3A_110 = tpu.memref_slice %arg7[%dma_start3A_108, %dma_start3A_109] : memref<208x64xf32, #tpu.memory_space<vmem_shared>> -> memref<200x64xf32, #tpu.memory_space<vmem_shared>>
      %dma_start3A_111 = arith.constant 0 : i32
      %dma_start3A_112 = arith.constant 0 : i32
      %dma_start3A_113 = tpu.memref_slice %arg10[%dma_start3A_103, %dma_start3A_111, %dma_start3A_112] : memref<1x200x64xf32, #tpu.memory_space<vmem>> -> memref<1x200x64xf32, #tpu.memory_space<vmem>>
      %dma_start3A_114 = tpu.memref_squeeze %dma_start3A_113 : memref<1x200x64xf32, #tpu.memory_space<vmem>> -> memref<200x64xf32, #tpu.memory_space<vmem>>
      %dma_start3A_115 = arith.constant 1 : i32
      %dma_start3A_116 = arith.constant 0 : i32
      %dma_start3A_117 = tpu.memref_slice %arg7[%dma_start3A_115, %dma_start3A_116] : memref<208x64xf32, #tpu.memory_space<vmem_shared>> -> memref<200x64xf32, #tpu.memory_space<vmem_shared>>
      tpu.enqueue_dma source(%dma_start3A_117 : memref<200x64xf32, #tpu.memory_space<vmem_shared>>) target(%dma_start3A_114 : memref<200x64xf32, #tpu.memory_space<vmem>>) target_semaphore(%arg18 : memref<!tpu.dma_semaphore, #tpu.memory_space<semaphore_mem>>)
      %gt3A_118 = arith.constant 0 : i32
      %gt3A_119 = arith.cmpi sgt, %scan3A_57, %gt3A_118 : i32
      %convert_element_type3A_120 = arith.extui %gt3A_119 : i1 to i32
      %cond3A_121 = arith.constant 0 : i32
      %cond3A_122 = arith.cmpi ne, %convert_element_type3A_120, %cond3A_121 : i32
      scf.if %cond3A_122 {
        %dma_wait3A_1018 = arith.constant 0 : i32
        %dma_wait3A_1019 = arith.constant 0 : i32
        %dma_wait3A_1020 = tpu.memref_slice %arg5[%mul3A_2, %dma_wait3A_1018, %dma_wait3A_1019] : memref<4096x200x64xf32, #tpu.memory_space<hbm>> -> memref<1x200x64xf32, #tpu.memory_space<hbm>>
        %dma_wait3A_1021 = arith.constant 0 : i32
        %dma_wait3A_1022 = arith.constant 0 : i32
        %dma_wait3A_1023 = tpu.memref_slice %arg5[%mul3A_2, %dma_wait3A_1021, %dma_wait3A_1022] : memref<4096x200x64xf32, #tpu.memory_space<hbm>> -> memref<1x200x64xf32, #tpu.memory_space<hbm>>
        tpu.wait_dma2 semaphore(%arg35 : memref<!tpu.dma_semaphore, #tpu.memory_space<semaphore_mem>>) src(%arg11 : memref<1x200x64xf32, #tpu.memory_space<vmem>>) dst(%dma_wait3A_1023 : memref<1x200x64xf32, #tpu.memory_space<hbm>>)
      } else {
      }
      %dma_start3A_123 = arith.constant 0 : i32
      %dma_start3A_124 = arith.constant 0 : i32
      %dma_start3A_125 = arith.constant 0 : i32
      %dma_start3A_126 = tpu.memref_slice %arg11[%dma_start3A_123, %dma_start3A_124, %dma_start3A_125] : memref<1x200x64xf32, #tpu.memory_space<vmem>> -> memref<1x200x64xf32, #tpu.memory_space<vmem>>
      %dma_start3A_127 = tpu.memref_squeeze %dma_start3A_126 : memref<1x200x64xf32, #tpu.memory_space<vmem>> -> memref<200x64xf32, #tpu.memory_space<vmem>>
      %dma_start3A_128 = arith.constant 1 : i32
      %dma_start3A_129 = arith.constant 0 : i32
      %dma_start3A_130 = tpu.memref_slice %arg7[%dma_start3A_128, %dma_start3A_129] : memref<208x64xf32, #tpu.memory_space<vmem_shared>> -> memref<200x64xf32, #tpu.memory_space<vmem_shared>>
      %dma_start3A_131 = arith.constant 0 : i32
      %dma_start3A_132 = arith.constant 0 : i32
      %dma_start3A_133 = tpu.memref_slice %arg11[%dma_start3A_123, %dma_start3A_131, %dma_start3A_132] : memref<1x200x64xf32, #tpu.memory_space<vmem>> -> memref<1x200x64xf32, #tpu.memory_space<vmem>>
      %dma_start3A_134 = tpu.memref_squeeze %dma_start3A_133 : memref<1x200x64xf32, #tpu.memory_space<vmem>> -> memref<200x64xf32, #tpu.memory_space<vmem>>
      %dma_start3A_135 = arith.constant 1 : i32
      %dma_start3A_136 = arith.constant 0 : i32
      %dma_start3A_137 = tpu.memref_slice %arg7[%dma_start3A_135, %dma_start3A_136] : memref<208x64xf32, #tpu.memory_space<vmem_shared>> -> memref<200x64xf32, #tpu.memory_space<vmem_shared>>
      tpu.enqueue_dma source(%dma_start3A_137 : memref<200x64xf32, #tpu.memory_space<vmem_shared>>) target(%dma_start3A_134 : memref<200x64xf32, #tpu.memory_space<vmem>>) target_semaphore(%arg19 : memref<!tpu.dma_semaphore, #tpu.memory_space<semaphore_mem>>)
      %gt3A_138 = arith.constant 0 : i32
      %gt3A_139 = arith.cmpi sgt, %scan3A_57, %gt3A_138 : i32
      %convert_element_type3A_140 = arith.extui %gt3A_139 : i1 to i32
      %cond3A_141 = arith.constant 0 : i32
      %cond3A_142 = arith.cmpi ne, %convert_element_type3A_140, %cond3A_141 : i32
      scf.if %cond3A_142 {
        %dma_wait3A_1018 = arith.constant 0 : i32
        %dma_wait3A_1019 = arith.constant 0 : i32
        %dma_wait3A_1020 = tpu.memref_slice %arg5[%mul3A_2, %dma_wait3A_1018, %dma_wait3A_1019] : memref<4096x200x64xf32, #tpu.memory_space<hbm>> -> memref<1x200x64xf32, #tpu.memory_space<hbm>>
        %dma_wait3A_1021 = arith.constant 0 : i32
        %dma_wait3A_1022 = arith.constant 0 : i32
        %dma_wait3A_1023 = tpu.memref_slice %arg5[%mul3A_2, %dma_wait3A_1021, %dma_wait3A_1022] : memref<4096x200x64xf32, #tpu.memory_space<hbm>> -> memref<1x200x64xf32, #tpu.memory_space<hbm>>
        tpu.wait_dma2 semaphore(%arg36 : memref<!tpu.dma_semaphore, #tpu.memory_space<semaphore_mem>>) src(%arg12 : memref<1x200x64xf32, #tpu.memory_space<vmem>>) dst(%dma_wait3A_1023 : memref<1x200x64xf32, #tpu.memory_space<hbm>>)
      } else {
      }
      %dma_start3A_143 = arith.constant 0 : i32
      %dma_start3A_144 = arith.constant 0 : i32
      %dma_start3A_145 = arith.constant 0 : i32
      %dma_start3A_146 = tpu.memref_slice %arg12[%dma_start3A_143, %dma_start3A_144, %dma_start3A_145] : memref<1x200x64xf32, #tpu.memory_space<vmem>> -> memref<1x200x64xf32, #tpu.memory_space<vmem>>
      %dma_start3A_147 = tpu.memref_squeeze %dma_start3A_146 : memref<1x200x64xf32, #tpu.memory_space<vmem>> -> memref<200x64xf32, #tpu.memory_space<vmem>>
      %dma_start3A_148 = arith.constant 1 : i32
      %dma_start3A_149 = arith.constant 0 : i32
      %dma_start3A_150 = tpu.memref_slice %arg7[%dma_start3A_148, %dma_start3A_149] : memref<208x64xf32, #tpu.memory_space<vmem_shared>> -> memref<200x64xf32, #tpu.memory_space<vmem_shared>>
      %dma_start3A_151 = arith.constant 0 : i32
      %dma_start3A_152 = arith.constant 0 : i32
      %dma_start3A_153 = tpu.memref_slice %arg12[%dma_start3A_143, %dma_start3A_151, %dma_start3A_152] : memref<1x200x64xf32, #tpu.memory_space<vmem>> -> memref<1x200x64xf32, #tpu.memory_space<vmem>>
      %dma_start3A_154 = tpu.memref_squeeze %dma_start3A_153 : memref<1x200x64xf32, #tpu.memory_space<vmem>> -> memref<200x64xf32, #tpu.memory_space<vmem>>
      %dma_start3A_155 = arith.constant 1 : i32
      %dma_start3A_156 = arith.constant 0 : i32
      %dma_start3A_157 = tpu.memref_slice %arg7[%dma_start3A_155, %dma_start3A_156] : memref<208x64xf32, #tpu.memory_space<vmem_shared>> -> memref<200x64xf32, #tpu.memory_space<vmem_shared>>
      tpu.enqueue_dma source(%dma_start3A_157 : memref<200x64xf32, #tpu.memory_space<vmem_shared>>) target(%dma_start3A_154 : memref<200x64xf32, #tpu.memory_space<vmem>>) target_semaphore(%arg20 : memref<!tpu.dma_semaphore, #tpu.memory_space<semaphore_mem>>)
      %gt3A_158 = arith.constant 0 : i32
      %gt3A_159 = arith.cmpi sgt, %scan3A_57, %gt3A_158 : i32
      %convert_element_type3A_160 = arith.extui %gt3A_159 : i1 to i32
      %cond3A_161 = arith.constant 0 : i32
      %cond3A_162 = arith.cmpi ne, %convert_element_type3A_160, %cond3A_161 : i32
      scf.if %cond3A_162 {
        %dma_wait3A_1018 = arith.constant 0 : i32
        %dma_wait3A_1019 = arith.constant 0 : i32
        %dma_wait3A_1020 = tpu.memref_slice %arg5[%mul3A_2, %dma_wait3A_1018, %dma_wait3A_1019] : memref<4096x200x64xf32, #tpu.memory_space<hbm>> -> memref<1x200x64xf32, #tpu.memory_space<hbm>>
        %dma_wait3A_1021 = arith.constant 0 : i32
        %dma_wait3A_1022 = arith.constant 0 : i32
        %dma_wait3A_1023 = tpu.memref_slice %arg5[%mul3A_2, %dma_wait3A_1021, %dma_wait3A_1022] : memref<4096x200x64xf32, #tpu.memory_space<hbm>> -> memref<1x200x64xf32, #tpu.memory_space<hbm>>
        tpu.wait_dma2 semaphore(%arg37 : memref<!tpu.dma_semaphore, #tpu.memory_space<semaphore_mem>>) src(%arg13 : memref<1x200x64xf32, #tpu.memory_space<vmem>>) dst(%dma_wait3A_1023 : memref<1x200x64xf32, #tpu.memory_space<hbm>>)
      } else {
      }
      %dma_start3A_163 = arith.constant 0 : i32
      %dma_start3A_164 = arith.constant 0 : i32
      %dma_start3A_165 = arith.constant 0 : i32
      %dma_start3A_166 = tpu.memref_slice %arg13[%dma_start3A_163, %dma_start3A_164, %dma_start3A_165] : memref<1x200x64xf32, #tpu.memory_space<vmem>> -> memref<1x200x64xf32, #tpu.memory_space<vmem>>
      %dma_start3A_167 = tpu.memref_squeeze %dma_start3A_166 : memref<1x200x64xf32, #tpu.memory_space<vmem>> -> memref<200x64xf32, #tpu.memory_space<vmem>>
      %dma_start3A_168 = arith.constant 1 : i32
      %dma_start3A_169 = arith.constant 0 : i32
      %dma_start3A_170 = tpu.memref_slice %arg7[%dma_start3A_168, %dma_start3A_169] : memref<208x64xf32, #tpu.memory_space<vmem_shared>> -> memref<200x64xf32, #tpu.memory_space<vmem_shared>>
      %dma_start3A_171 = arith.constant 0 : i32
      %dma_start3A_172 = arith.constant 0 : i32
      %dma_start3A_173 = tpu.memref_slice %arg13[%dma_start3A_163, %dma_start3A_171, %dma_start3A_172] : memref<1x200x64xf32, #tpu.memory_space<vmem>> -> memref<1x200x64xf32, #tpu.memory_space<vmem>>
      %dma_start3A_174 = tpu.memref_squeeze %dma_start3A_173 : memref<1x200x64xf32, #tpu.memory_space<vmem>> -> memref<200x64xf32, #tpu.memory_space<vmem>>
      %dma_start3A_175 = arith.constant 1 : i32
      %dma_start3A_176 = arith.constant 0 : i32
      %dma_start3A_177 = tpu.memref_slice %arg7[%dma_start3A_175, %dma_start3A_176] : memref<208x64xf32, #tpu.memory_space<vmem_shared>> -> memref<200x64xf32, #tpu.memory_space<vmem_shared>>
      tpu.enqueue_dma source(%dma_start3A_177 : memref<200x64xf32, #tpu.memory_space<vmem_shared>>) target(%dma_start3A_174 : memref<200x64xf32, #tpu.memory_space<vmem>>) target_semaphore(%arg21 : memref<!tpu.dma_semaphore, #tpu.memory_space<semaphore_mem>>)
      %gt3A_178 = arith.constant 0 : i32
      %gt3A_179 = arith.cmpi sgt, %scan3A_57, %gt3A_178 : i32
      %convert_element_type3A_180 = arith.extui %gt3A_179 : i1 to i32
      %cond3A_181 = arith.constant 0 : i32
      %cond3A_182 = arith.cmpi ne, %convert_element_type3A_180, %cond3A_181 : i32
      scf.if %cond3A_182 {
        %dma_wait3A_1018 = arith.constant 0 : i32
        %dma_wait3A_1019 = arith.constant 0 : i32
        %dma_wait3A_1020 = tpu.memref_slice %arg5[%mul3A_2, %dma_wait3A_1018, %dma_wait3A_1019] : memref<4096x200x64xf32, #tpu.memory_space<hbm>> -> memref<1x200x64xf32, #tpu.memory_space<hbm>>
        %dma_wait3A_1021 = arith.constant 0 : i32
        %dma_wait3A_1022 = arith.constant 0 : i32
        %dma_wait3A_1023 = tpu.memref_slice %arg5[%mul3A_2, %dma_wait3A_1021, %dma_wait3A_1022] : memref<4096x200x64xf32, #tpu.memory_space<hbm>> -> memref<1x200x64xf32, #tpu.memory_space<hbm>>
        tpu.wait_dma2 semaphore(%arg38 : memref<!tpu.dma_semaphore, #tpu.memory_space<semaphore_mem>>) src(%arg14 : memref<1x200x64xf32, #tpu.memory_space<vmem>>) dst(%dma_wait3A_1023 : memref<1x200x64xf32, #tpu.memory_space<hbm>>)
      } else {
      }
      %dma_start3A_183 = arith.constant 0 : i32
      %dma_start3A_184 = arith.constant 0 : i32
      %dma_start3A_185 = arith.constant 0 : i32
      %dma_start3A_186 = tpu.memref_slice %arg14[%dma_start3A_183, %dma_start3A_184, %dma_start3A_185] : memref<1x200x64xf32, #tpu.memory_space<vmem>> -> memref<1x200x64xf32, #tpu.memory_space<vmem>>
      %dma_start3A_187 = tpu.memref_squeeze %dma_start3A_186 : memref<1x200x64xf32, #tpu.memory_space<vmem>> -> memref<200x64xf32, #tpu.memory_space<vmem>>
      %dma_start3A_188 = arith.constant 1 : i32
      %dma_start3A_189 = arith.constant 0 : i32
      %dma_start3A_190 = tpu.memref_slice %arg7[%dma_start3A_188, %dma_start3A_189] : memref<208x64xf32, #tpu.memory_space<vmem_shared>> -> memref<200x64xf32, #tpu.memory_space<vmem_shared>>
      %dma_start3A_191 = arith.constant 0 : i32
      %dma_start3A_192 = arith.constant 0 : i32
      %dma_start3A_193 = tpu.memref_slice %arg14[%dma_start3A_183, %dma_start3A_191, %dma_start3A_192] : memref<1x200x64xf32, #tpu.memory_space<vmem>> -> memref<1x200x64xf32, #tpu.memory_space<vmem>>
      %dma_start3A_194 = tpu.memref_squeeze %dma_start3A_193 : memref<1x200x64xf32, #tpu.memory_space<vmem>> -> memref<200x64xf32, #tpu.memory_space<vmem>>
      %dma_start3A_195 = arith.constant 1 : i32
      %dma_start3A_196 = arith.constant 0 : i32
      %dma_start3A_197 = tpu.memref_slice %arg7[%dma_start3A_195, %dma_start3A_196] : memref<208x64xf32, #tpu.memory_space<vmem_shared>> -> memref<200x64xf32, #tpu.memory_space<vmem_shared>>
      tpu.enqueue_dma source(%dma_start3A_197 : memref<200x64xf32, #tpu.memory_space<vmem_shared>>) target(%dma_start3A_194 : memref<200x64xf32, #tpu.memory_space<vmem>>) target_semaphore(%arg22 : memref<!tpu.dma_semaphore, #tpu.memory_space<semaphore_mem>>)
      %gt3A_198 = arith.constant 0 : i32
      %gt3A_199 = arith.cmpi sgt, %scan3A_57, %gt3A_198 : i32
      %convert_element_type3A_200 = arith.extui %gt3A_199 : i1 to i32
      %cond3A_201 = arith.constant 0 : i32
      %cond3A_202 = arith.cmpi ne, %convert_element_type3A_200, %cond3A_201 : i32
      scf.if %cond3A_202 {
        %dma_wait3A_1018 = arith.constant 0 : i32
        %dma_wait3A_1019 = arith.constant 0 : i32
        %dma_wait3A_1020 = tpu.memref_slice %arg5[%mul3A_2, %dma_wait3A_1018, %dma_wait3A_1019] : memref<4096x200x64xf32, #tpu.memory_space<hbm>> -> memref<1x200x64xf32, #tpu.memory_space<hbm>>
        %dma_wait3A_1021 = arith.constant 0 : i32
        %dma_wait3A_1022 = arith.constant 0 : i32
        %dma_wait3A_1023 = tpu.memref_slice %arg5[%mul3A_2, %dma_wait3A_1021, %dma_wait3A_1022] : memref<4096x200x64xf32, #tpu.memory_space<hbm>> -> memref<1x200x64xf32, #tpu.memory_space<hbm>>
        tpu.wait_dma2 semaphore(%arg39 : memref<!tpu.dma_semaphore, #tpu.memory_space<semaphore_mem>>) src(%arg15 : memref<1x200x64xf32, #tpu.memory_space<vmem>>) dst(%dma_wait3A_1023 : memref<1x200x64xf32, #tpu.memory_space<hbm>>)
      } else {
      }
      %dma_start3A_203 = arith.constant 0 : i32
      %dma_start3A_204 = arith.constant 0 : i32
      %dma_start3A_205 = arith.constant 0 : i32
      %dma_start3A_206 = tpu.memref_slice %arg15[%dma_start3A_203, %dma_start3A_204, %dma_start3A_205] : memref<1x200x64xf32, #tpu.memory_space<vmem>> -> memref<1x200x64xf32, #tpu.memory_space<vmem>>
      %dma_start3A_207 = tpu.memref_squeeze %dma_start3A_206 : memref<1x200x64xf32, #tpu.memory_space<vmem>> -> memref<200x64xf32, #tpu.memory_space<vmem>>
      %dma_start3A_208 = arith.constant 1 : i32
      %dma_start3A_209 = arith.constant 0 : i32
      %dma_start3A_210 = tpu.memref_slice %arg7[%dma_start3A_208, %dma_start3A_209] : memref<208x64xf32, #tpu.memory_space<vmem_shared>> -> memref<200x64xf32, #tpu.memory_space<vmem_shared>>
      %dma_start3A_211 = arith.constant 0 : i32
      %dma_start3A_212 = arith.constant 0 : i32
      %dma_start3A_213 = tpu.memref_slice %arg15[%dma_start3A_203, %dma_start3A_211, %dma_start3A_212] : memref<1x200x64xf32, #tpu.memory_space<vmem>> -> memref<1x200x64xf32, #tpu.memory_space<vmem>>
      %dma_start3A_214 = tpu.memref_squeeze %dma_start3A_213 : memref<1x200x64xf32, #tpu.memory_space<vmem>> -> memref<200x64xf32, #tpu.memory_space<vmem>>
      %dma_start3A_215 = arith.constant 1 : i32
      %dma_start3A_216 = arith.constant 0 : i32
      %dma_start3A_217 = tpu.memref_slice %arg7[%dma_start3A_215, %dma_start3A_216] : memref<208x64xf32, #tpu.memory_space<vmem_shared>> -> memref<200x64xf32, #tpu.memory_space<vmem_shared>>
      tpu.enqueue_dma source(%dma_start3A_217 : memref<200x64xf32, #tpu.memory_space<vmem_shared>>) target(%dma_start3A_214 : memref<200x64xf32, #tpu.memory_space<vmem>>) target_semaphore(%arg23 : memref<!tpu.dma_semaphore, #tpu.memory_space<semaphore_mem>>)
      %dma_wait3A_218 = arith.constant 0 : i32
      %dma_wait3A_219 = arith.constant 0 : i32
      %dma_wait3A_220 = arith.constant 0 : i32
      %dma_wait3A_221 = tpu.memref_slice %arg8[%dma_wait3A_218, %dma_wait3A_219, %dma_wait3A_220] : memref<1x200x64xf32, #tpu.memory_space<vmem>> -> memref<1x200x64xf32, #tpu.memory_space<vmem>>
      %dma_wait3A_222 = tpu.memref_squeeze %dma_wait3A_221 : memref<1x200x64xf32, #tpu.memory_space<vmem>> -> memref<200x64xf32, #tpu.memory_space<vmem>>
      %dma_wait3A_223 = arith.constant 1 : i32
      %dma_wait3A_224 = arith.constant 0 : i32
      %dma_wait3A_225 = tpu.memref_slice %arg7[%dma_wait3A_223, %dma_wait3A_224] : memref<208x64xf32, #tpu.memory_space<vmem_shared>> -> memref<200x64xf32, #tpu.memory_space<vmem_shared>>
      %dma_wait3A_226 = arith.constant 0 : i32
      %dma_wait3A_227 = arith.constant 0 : i32
      %dma_wait3A_228 = tpu.memref_slice %arg8[%dma_wait3A_218, %dma_wait3A_226, %dma_wait3A_227] : memref<1x200x64xf32, #tpu.memory_space<vmem>> -> memref<1x200x64xf32, #tpu.memory_space<vmem>>
      %dma_wait3A_229 = tpu.memref_squeeze %dma_wait3A_228 : memref<1x200x64xf32, #tpu.memory_space<vmem>> -> memref<200x64xf32, #tpu.memory_space<vmem>>
      %dma_wait3A_230 = arith.constant 1 : i32
      %dma_wait3A_231 = arith.constant 0 : i32
      %dma_wait3A_232 = tpu.memref_slice %arg7[%dma_wait3A_230, %dma_wait3A_231] : memref<208x64xf32, #tpu.memory_space<vmem_shared>> -> memref<200x64xf32, #tpu.memory_space<vmem_shared>>
      tpu.wait_dma2 semaphore(%arg16 : memref<!tpu.dma_semaphore, #tpu.memory_space<semaphore_mem>>) src(%dma_wait3A_232 : memref<200x64xf32, #tpu.memory_space<vmem_shared>>) dst(%dma_wait3A_229 : memref<200x64xf32, #tpu.memory_space<vmem>>)
      %add3A_233 = arith.constant 0 : i32
      %add3A_234 = arith.addi %mul3A_59, %add3A_233 : i32
      %mul3A_235 = arith.constant 1 : i32
      %mul3A_236 = arith.muli %add3A_234, %mul3A_235 : i32
      %add3A_237 = arith.constant 0 : i32
      %add3A_238 = arith.addi %mul3A_236, %add3A_237 : i32
      %dma_start3A_239 = arith.constant 0 : i32
      %dma_start3A_240 = arith.constant 0 : i32
      %dma_start3A_241 = arith.constant 0 : i32
      %dma_start3A_242 = tpu.memref_slice %arg8[%dma_start3A_239, %dma_start3A_240, %dma_start3A_241] : memref<1x200x64xf32, #tpu.memory_space<vmem>> -> memref<1x200x64xf32, #tpu.memory_space<vmem>>
      %dma_start3A_243 = tpu.memref_squeeze %dma_start3A_242 : memref<1x200x64xf32, #tpu.memory_space<vmem>> -> memref<200x64xf32, #tpu.memory_space<vmem>>
      %dma_start3A_244 = arith.constant 0 : i32
      %dma_start3A_245 = arith.constant 0 : i32
      %dma_start3A_246 = tpu.memref_slice %dma_start3A_243[%dma_start3A_244, %dma_start3A_245] : memref<200x64xf32, #tpu.memory_space<vmem>> -> memref<104x64xf32, #tpu.memory_space<vmem>>
      %dma_start3A_247 = arith.constant 0 : i32
      %dma_start3A_248 = tpu.memref_slice %arg6[%add3A_238, %dma_start3A_247] : memref<128x200xi32, #tpu.memory_space<vmem>> -> memref<1x200xi32, #tpu.memory_space<vmem>>
      %dma_start3A_249 = tpu.memref_squeeze %dma_start3A_248 : memref<1x200xi32, #tpu.memory_space<vmem>> -> memref<200xi32, #tpu.memory_space<vmem>>
      %dma_start3A_250 = arith.constant 0 : i32
      %dma_start3A_251 = tpu.memref_slice %dma_start3A_249[%dma_start3A_250] : memref<200xi32, #tpu.memory_space<vmem>> -> memref<104xi32, #tpu.memory_space<vmem>>
      %dma_start3A_252 = arith.constant 0 : i32
      %dma_start3A_253 = arith.constant 0 : i32
      %dma_start3A_254 = tpu.memref_slice %arg3[%dma_start3A_252, %dma_start3A_253] : memref<100000x64xf32, #tpu.memory_space<hbm>> -> memref<100000x64xf32, #tpu.memory_space<hbm>>
      tpu.enqueue_indirect_dma source(%dma_start3A_254 : memref<100000x64xf32, #tpu.memory_space<hbm>>) target(%dma_start3A_246 : memref<104x64xf32, #tpu.memory_space<vmem>>) offsets(%dma_start3A_251 : memref<104xi32, #tpu.memory_space<vmem>>) semaphore(%arg24 : memref<!tpu.dma_semaphore, #tpu.memory_space<semaphore_mem>>) {add = true}
      %mul3A_255 = arith.constant 1 : i32
      %mul3A_256 = arith.muli %add3A_234, %mul3A_255 : i32
      %add3A_257 = arith.constant 0 : i32
      %add3A_258 = arith.addi %mul3A_256, %add3A_257 : i32
      %dma_start3A_259 = arith.constant 0 : i32
      %dma_start3A_260 = arith.constant 0 : i32
      %dma_start3A_261 = arith.constant 0 : i32
      %dma_start3A_262 = tpu.memref_slice %arg8[%dma_start3A_259, %dma_start3A_260, %dma_start3A_261] : memref<1x200x64xf32, #tpu.memory_space<vmem>> -> memref<1x200x64xf32, #tpu.memory_space<vmem>>
      %dma_start3A_263 = tpu.memref_squeeze %dma_start3A_262 : memref<1x200x64xf32, #tpu.memory_space<vmem>> -> memref<200x64xf32, #tpu.memory_space<vmem>>
      %dma_start3A_264 = arith.constant 104 : i32
      %dma_start3A_265 = arith.constant 0 : i32
      %dma_start3A_266 = tpu.memref_slice %dma_start3A_263[%dma_start3A_264, %dma_start3A_265] : memref<200x64xf32, #tpu.memory_space<vmem>> -> memref<96x64xf32, #tpu.memory_space<vmem>>
      %dma_start3A_267 = arith.constant 0 : i32
      %dma_start3A_268 = tpu.memref_slice %arg6[%add3A_258, %dma_start3A_267] : memref<128x200xi32, #tpu.memory_space<vmem>> -> memref<1x200xi32, #tpu.memory_space<vmem>>
      %dma_start3A_269 = tpu.memref_squeeze %dma_start3A_268 : memref<1x200xi32, #tpu.memory_space<vmem>> -> memref<200xi32, #tpu.memory_space<vmem>>
      %dma_start3A_270 = arith.constant 104 : i32
      %dma_start3A_271 = tpu.memref_slice %dma_start3A_269[%dma_start3A_270] : memref<200xi32, #tpu.memory_space<vmem>> -> memref<96xi32, #tpu.memory_space<vmem>>
      %dma_start3A_272 = arith.constant 0 : i32
      %dma_start3A_273 = arith.constant 0 : i32
      %dma_start3A_274 = tpu.memref_slice %arg3[%dma_start3A_272, %dma_start3A_273] : memref<100000x64xf32, #tpu.memory_space<hbm>> -> memref<100000x64xf32, #tpu.memory_space<hbm>>
      tpu.enqueue_indirect_dma source(%dma_start3A_274 : memref<100000x64xf32, #tpu.memory_space<hbm>>) target(%dma_start3A_266 : memref<96x64xf32, #tpu.memory_space<vmem>>) offsets(%dma_start3A_271 : memref<96xi32, #tpu.memory_space<vmem>>) semaphore(%arg24 : memref<!tpu.dma_semaphore, #tpu.memory_space<semaphore_mem>>) {add = true}
      %dma_wait3A_275 = arith.constant 0 : i32
      %dma_wait3A_276 = arith.constant 0 : i32
      %dma_wait3A_277 = arith.constant 0 : i32
      %dma_wait3A_278 = tpu.memref_slice %arg9[%dma_wait3A_275, %dma_wait3A_276, %dma_wait3A_277] : memref<1x200x64xf32, #tpu.memory_space<vmem>> -> memref<1x200x64xf32, #tpu.memory_space<vmem>>
      %dma_wait3A_279 = tpu.memref_squeeze %dma_wait3A_278 : memref<1x200x64xf32, #tpu.memory_space<vmem>> -> memref<200x64xf32, #tpu.memory_space<vmem>>
      %dma_wait3A_280 = arith.constant 1 : i32
      %dma_wait3A_281 = arith.constant 0 : i32
      %dma_wait3A_282 = tpu.memref_slice %arg7[%dma_wait3A_280, %dma_wait3A_281] : memref<208x64xf32, #tpu.memory_space<vmem_shared>> -> memref<200x64xf32, #tpu.memory_space<vmem_shared>>
      %dma_wait3A_283 = arith.constant 0 : i32
      %dma_wait3A_284 = arith.constant 0 : i32
      %dma_wait3A_285 = tpu.memref_slice %arg9[%dma_wait3A_275, %dma_wait3A_283, %dma_wait3A_284] : memref<1x200x64xf32, #tpu.memory_space<vmem>> -> memref<1x200x64xf32, #tpu.memory_space<vmem>>
      %dma_wait3A_286 = tpu.memref_squeeze %dma_wait3A_285 : memref<1x200x64xf32, #tpu.memory_space<vmem>> -> memref<200x64xf32, #tpu.memory_space<vmem>>
      %dma_wait3A_287 = arith.constant 1 : i32
      %dma_wait3A_288 = arith.constant 0 : i32
      %dma_wait3A_289 = tpu.memref_slice %arg7[%dma_wait3A_287, %dma_wait3A_288] : memref<208x64xf32, #tpu.memory_space<vmem_shared>> -> memref<200x64xf32, #tpu.memory_space<vmem_shared>>
      tpu.wait_dma2 semaphore(%arg17 : memref<!tpu.dma_semaphore, #tpu.memory_space<semaphore_mem>>) src(%dma_wait3A_289 : memref<200x64xf32, #tpu.memory_space<vmem_shared>>) dst(%dma_wait3A_286 : memref<200x64xf32, #tpu.memory_space<vmem>>)
      %add3A_290 = arith.constant 1 : i32
      %add3A_291 = arith.addi %mul3A_59, %add3A_290 : i32
      %mul3A_292 = arith.constant 1 : i32
      %mul3A_293 = arith.muli %add3A_291, %mul3A_292 : i32
      %add3A_294 = arith.constant 0 : i32
      %add3A_295 = arith.addi %mul3A_293, %add3A_294 : i32
      %dma_start3A_296 = arith.constant 0 : i32
      %dma_start3A_297 = arith.constant 0 : i32
      %dma_start3A_298 = arith.constant 0 : i32
      %dma_start3A_299 = tpu.memref_slice %arg9[%dma_start3A_296, %dma_start3A_297, %dma_start3A_298] : memref<1x200x64xf32, #tpu.memory_space<vmem>> -> memref<1x200x64xf32, #tpu.memory_space<vmem>>
      %dma_start3A_300 = tpu.memref_squeeze %dma_start3A_299 : memref<1x200x64xf32, #tpu.memory_space<vmem>> -> memref<200x64xf32, #tpu.memory_space<vmem>>
      %dma_start3A_301 = arith.constant 0 : i32
      %dma_start3A_302 = arith.constant 0 : i32
      %dma_start3A_303 = tpu.memref_slice %dma_start3A_300[%dma_start3A_301, %dma_start3A_302] : memref<200x64xf32, #tpu.memory_space<vmem>> -> memref<104x64xf32, #tpu.memory_space<vmem>>
      %dma_start3A_304 = arith.constant 0 : i32
      %dma_start3A_305 = tpu.memref_slice %arg6[%add3A_295, %dma_start3A_304] : memref<128x200xi32, #tpu.memory_space<vmem>> -> memref<1x200xi32, #tpu.memory_space<vmem>>
      %dma_start3A_306 = tpu.memref_squeeze %dma_start3A_305 : memref<1x200xi32, #tpu.memory_space<vmem>> -> memref<200xi32, #tpu.memory_space<vmem>>
      %dma_start3A_307 = arith.constant 0 : i32
      %dma_start3A_308 = tpu.memref_slice %dma_start3A_306[%dma_start3A_307] : memref<200xi32, #tpu.memory_space<vmem>> -> memref<104xi32, #tpu.memory_space<vmem>>
      %dma_start3A_309 = arith.constant 0 : i32
      %dma_start3A_310 = arith.constant 0 : i32
      %dma_start3A_311 = tpu.memref_slice %arg3[%dma_start3A_309, %dma_start3A_310] : memref<100000x64xf32, #tpu.memory_space<hbm>> -> memref<100000x64xf32, #tpu.memory_space<hbm>>
      tpu.enqueue_indirect_dma source(%dma_start3A_311 : memref<100000x64xf32, #tpu.memory_space<hbm>>) target(%dma_start3A_303 : memref<104x64xf32, #tpu.memory_space<vmem>>) offsets(%dma_start3A_308 : memref<104xi32, #tpu.memory_space<vmem>>) semaphore(%arg25 : memref<!tpu.dma_semaphore, #tpu.memory_space<semaphore_mem>>) {add = true}
      %mul3A_312 = arith.constant 1 : i32
      %mul3A_313 = arith.muli %add3A_291, %mul3A_312 : i32
      %add3A_314 = arith.constant 0 : i32
      %add3A_315 = arith.addi %mul3A_313, %add3A_314 : i32
      %dma_start3A_316 = arith.constant 0 : i32
      %dma_start3A_317 = arith.constant 0 : i32
      %dma_start3A_318 = arith.constant 0 : i32
      %dma_start3A_319 = tpu.memref_slice %arg9[%dma_start3A_316, %dma_start3A_317, %dma_start3A_318] : memref<1x200x64xf32, #tpu.memory_space<vmem>> -> memref<1x200x64xf32, #tpu.memory_space<vmem>>
      %dma_start3A_320 = tpu.memref_squeeze %dma_start3A_319 : memref<1x200x64xf32, #tpu.memory_space<vmem>> -> memref<200x64xf32, #tpu.memory_space<vmem>>
      %dma_start3A_321 = arith.constant 104 : i32
      %dma_start3A_322 = arith.constant 0 : i32
      %dma_start3A_323 = tpu.memref_slice %dma_start3A_320[%dma_start3A_321, %dma_start3A_322] : memref<200x64xf32, #tpu.memory_space<vmem>> -> memref<96x64xf32, #tpu.memory_space<vmem>>
      %dma_start3A_324 = arith.constant 0 : i32
      %dma_start3A_325 = tpu.memref_slice %arg6[%add3A_315, %dma_start3A_324] : memref<128x200xi32, #tpu.memory_space<vmem>> -> memref<1x200xi32, #tpu.memory_space<vmem>>
      %dma_start3A_326 = tpu.memref_squeeze %dma_start3A_325 : memref<1x200xi32, #tpu.memory_space<vmem>> -> memref<200xi32, #tpu.memory_space<vmem>>
      %dma_start3A_327 = arith.constant 104 : i32
      %dma_start3A_328 = tpu.memref_slice %dma_start3A_326[%dma_start3A_327] : memref<200xi32, #tpu.memory_space<vmem>> -> memref<96xi32, #tpu.memory_space<vmem>>
      %dma_start3A_329 = arith.constant 0 : i32
      %dma_start3A_330 = arith.constant 0 : i32
      %dma_start3A_331 = tpu.memref_slice %arg3[%dma_start3A_329, %dma_start3A_330] : memref<100000x64xf32, #tpu.memory_space<hbm>> -> memref<100000x64xf32, #tpu.memory_space<hbm>>
      tpu.enqueue_indirect_dma source(%dma_start3A_331 : memref<100000x64xf32, #tpu.memory_space<hbm>>) target(%dma_start3A_323 : memref<96x64xf32, #tpu.memory_space<vmem>>) offsets(%dma_start3A_328 : memref<96xi32, #tpu.memory_space<vmem>>) semaphore(%arg25 : memref<!tpu.dma_semaphore, #tpu.memory_space<semaphore_mem>>) {add = true}
      %dma_wait3A_332 = arith.constant 0 : i32
      %dma_wait3A_333 = arith.constant 0 : i32
      %dma_wait3A_334 = arith.constant 0 : i32
      %dma_wait3A_335 = tpu.memref_slice %arg10[%dma_wait3A_332, %dma_wait3A_333, %dma_wait3A_334] : memref<1x200x64xf32, #tpu.memory_space<vmem>> -> memref<1x200x64xf32, #tpu.memory_space<vmem>>
      %dma_wait3A_336 = tpu.memref_squeeze %dma_wait3A_335 : memref<1x200x64xf32, #tpu.memory_space<vmem>> -> memref<200x64xf32, #tpu.memory_space<vmem>>
      %dma_wait3A_337 = arith.constant 1 : i32
      %dma_wait3A_338 = arith.constant 0 : i32
      %dma_wait3A_339 = tpu.memref_slice %arg7[%dma_wait3A_337, %dma_wait3A_338] : memref<208x64xf32, #tpu.memory_space<vmem_shared>> -> memref<200x64xf32, #tpu.memory_space<vmem_shared>>
      %dma_wait3A_340 = arith.constant 0 : i32
      %dma_wait3A_341 = arith.constant 0 : i32
      %dma_wait3A_342 = tpu.memref_slice %arg10[%dma_wait3A_332, %dma_wait3A_340, %dma_wait3A_341] : memref<1x200x64xf32, #tpu.memory_space<vmem>> -> memref<1x200x64xf32, #tpu.memory_space<vmem>>
      %dma_wait3A_343 = tpu.memref_squeeze %dma_wait3A_342 : memref<1x200x64xf32, #tpu.memory_space<vmem>> -> memref<200x64xf32, #tpu.memory_space<vmem>>
      %dma_wait3A_344 = arith.constant 1 : i32
      %dma_wait3A_345 = arith.constant 0 : i32
      %dma_wait3A_346 = tpu.memref_slice %arg7[%dma_wait3A_344, %dma_wait3A_345] : memref<208x64xf32, #tpu.memory_space<vmem_shared>> -> memref<200x64xf32, #tpu.memory_space<vmem_shared>>
      tpu.wait_dma2 semaphore(%arg18 : memref<!tpu.dma_semaphore, #tpu.memory_space<semaphore_mem>>) src(%dma_wait3A_346 : memref<200x64xf32, #tpu.memory_space<vmem_shared>>) dst(%dma_wait3A_343 : memref<200x64xf32, #tpu.memory_space<vmem>>)
      %add3A_347 = arith.constant 2 : i32
      %add3A_348 = arith.addi %mul3A_59, %add3A_347 : i32
      %mul3A_349 = arith.constant 1 : i32
      %mul3A_350 = arith.muli %add3A_348, %mul3A_349 : i32
      %add3A_351 = arith.constant 0 : i32
      %add3A_352 = arith.addi %mul3A_350, %add3A_351 : i32
      %dma_start3A_353 = arith.constant 0 : i32
      %dma_start3A_354 = arith.constant 0 : i32
      %dma_start3A_355 = arith.constant 0 : i32
      %dma_start3A_356 = tpu.memref_slice %arg10[%dma_start3A_353, %dma_start3A_354, %dma_start3A_355] : memref<1x200x64xf32, #tpu.memory_space<vmem>> -> memref<1x200x64xf32, #tpu.memory_space<vmem>>
      %dma_start3A_357 = tpu.memref_squeeze %dma_start3A_356 : memref<1x200x64xf32, #tpu.memory_space<vmem>> -> memref<200x64xf32, #tpu.memory_space<vmem>>
      %dma_start3A_358 = arith.constant 0 : i32
      %dma_start3A_359 = arith.constant 0 : i32
      %dma_start3A_360 = tpu.memref_slice %dma_start3A_357[%dma_start3A_358, %dma_start3A_359] : memref<200x64xf32, #tpu.memory_space<vmem>> -> memref<104x64xf32, #tpu.memory_space<vmem>>
      %dma_start3A_361 = arith.constant 0 : i32
      %dma_start3A_362 = tpu.memref_slice %arg6[%add3A_352, %dma_start3A_361] : memref<128x200xi32, #tpu.memory_space<vmem>> -> memref<1x200xi32, #tpu.memory_space<vmem>>
      %dma_start3A_363 = tpu.memref_squeeze %dma_start3A_362 : memref<1x200xi32, #tpu.memory_space<vmem>> -> memref<200xi32, #tpu.memory_space<vmem>>
      %dma_start3A_364 = arith.constant 0 : i32
      %dma_start3A_365 = tpu.memref_slice %dma_start3A_363[%dma_start3A_364] : memref<200xi32, #tpu.memory_space<vmem>> -> memref<104xi32, #tpu.memory_space<vmem>>
      %dma_start3A_366 = arith.constant 0 : i32
      %dma_start3A_367 = arith.constant 0 : i32
      %dma_start3A_368 = tpu.memref_slice %arg3[%dma_start3A_366, %dma_start3A_367] : memref<100000x64xf32, #tpu.memory_space<hbm>> -> memref<100000x64xf32, #tpu.memory_space<hbm>>
      tpu.enqueue_indirect_dma source(%dma_start3A_368 : memref<100000x64xf32, #tpu.memory_space<hbm>>) target(%dma_start3A_360 : memref<104x64xf32, #tpu.memory_space<vmem>>) offsets(%dma_start3A_365 : memref<104xi32, #tpu.memory_space<vmem>>) semaphore(%arg26 : memref<!tpu.dma_semaphore, #tpu.memory_space<semaphore_mem>>) {add = true}
      %mul3A_369 = arith.constant 1 : i32
      %mul3A_370 = arith.muli %add3A_348, %mul3A_369 : i32
      %add3A_371 = arith.constant 0 : i32
      %add3A_372 = arith.addi %mul3A_370, %add3A_371 : i32
      %dma_start3A_373 = arith.constant 0 : i32
      %dma_start3A_374 = arith.constant 0 : i32
      %dma_start3A_375 = arith.constant 0 : i32
      %dma_start3A_376 = tpu.memref_slice %arg10[%dma_start3A_373, %dma_start3A_374, %dma_start3A_375] : memref<1x200x64xf32, #tpu.memory_space<vmem>> -> memref<1x200x64xf32, #tpu.memory_space<vmem>>
      %dma_start3A_377 = tpu.memref_squeeze %dma_start3A_376 : memref<1x200x64xf32, #tpu.memory_space<vmem>> -> memref<200x64xf32, #tpu.memory_space<vmem>>
      %dma_start3A_378 = arith.constant 104 : i32
      %dma_start3A_379 = arith.constant 0 : i32
      %dma_start3A_380 = tpu.memref_slice %dma_start3A_377[%dma_start3A_378, %dma_start3A_379] : memref<200x64xf32, #tpu.memory_space<vmem>> -> memref<96x64xf32, #tpu.memory_space<vmem>>
      %dma_start3A_381 = arith.constant 0 : i32
      %dma_start3A_382 = tpu.memref_slice %arg6[%add3A_372, %dma_start3A_381] : memref<128x200xi32, #tpu.memory_space<vmem>> -> memref<1x200xi32, #tpu.memory_space<vmem>>
      %dma_start3A_383 = tpu.memref_squeeze %dma_start3A_382 : memref<1x200xi32, #tpu.memory_space<vmem>> -> memref<200xi32, #tpu.memory_space<vmem>>
      %dma_start3A_384 = arith.constant 104 : i32
      %dma_start3A_385 = tpu.memref_slice %dma_start3A_383[%dma_start3A_384] : memref<200xi32, #tpu.memory_space<vmem>> -> memref<96xi32, #tpu.memory_space<vmem>>
      %dma_start3A_386 = arith.constant 0 : i32
      %dma_start3A_387 = arith.constant 0 : i32
      %dma_start3A_388 = tpu.memref_slice %arg3[%dma_start3A_386, %dma_start3A_387] : memref<100000x64xf32, #tpu.memory_space<hbm>> -> memref<100000x64xf32, #tpu.memory_space<hbm>>
      tpu.enqueue_indirect_dma source(%dma_start3A_388 : memref<100000x64xf32, #tpu.memory_space<hbm>>) target(%dma_start3A_380 : memref<96x64xf32, #tpu.memory_space<vmem>>) offsets(%dma_start3A_385 : memref<96xi32, #tpu.memory_space<vmem>>) semaphore(%arg26 : memref<!tpu.dma_semaphore, #tpu.memory_space<semaphore_mem>>) {add = true}
      %dma_wait3A_389 = arith.constant 0 : i32
      %dma_wait3A_390 = arith.constant 0 : i32
      %dma_wait3A_391 = arith.constant 0 : i32
      %dma_wait3A_392 = tpu.memref_slice %arg11[%dma_wait3A_389, %dma_wait3A_390, %dma_wait3A_391] : memref<1x200x64xf32, #tpu.memory_space<vmem>> -> memref<1x200x64xf32, #tpu.memory_space<vmem>>
      %dma_wait3A_393 = tpu.memref_squeeze %dma_wait3A_392 : memref<1x200x64xf32, #tpu.memory_space<vmem>> -> memref<200x64xf32, #tpu.memory_space<vmem>>
      %dma_wait3A_394 = arith.constant 1 : i32
      %dma_wait3A_395 = arith.constant 0 : i32
      %dma_wait3A_396 = tpu.memref_slice %arg7[%dma_wait3A_394, %dma_wait3A_395] : memref<208x64xf32, #tpu.memory_space<vmem_shared>> -> memref<200x64xf32, #tpu.memory_space<vmem_shared>>
      %dma_wait3A_397 = arith.constant 0 : i32
      %dma_wait3A_398 = arith.constant 0 : i32
      %dma_wait3A_399 = tpu.memref_slice %arg11[%dma_wait3A_389, %dma_wait3A_397, %dma_wait3A_398] : memref<1x200x64xf32, #tpu.memory_space<vmem>> -> memref<1x200x64xf32, #tpu.memory_space<vmem>>
      %dma_wait3A_400 = tpu.memref_squeeze %dma_wait3A_399 : memref<1x200x64xf32, #tpu.memory_space<vmem>> -> memref<200x64xf32, #tpu.memory_space<vmem>>
      %dma_wait3A_401 = arith.constant 1 : i32
      %dma_wait3A_402 = arith.constant 0 : i32
      %dma_wait3A_403 = tpu.memref_slice %arg7[%dma_wait3A_401, %dma_wait3A_402] : memref<208x64xf32, #tpu.memory_space<vmem_shared>> -> memref<200x64xf32, #tpu.memory_space<vmem_shared>>
      tpu.wait_dma2 semaphore(%arg19 : memref<!tpu.dma_semaphore, #tpu.memory_space<semaphore_mem>>) src(%dma_wait3A_403 : memref<200x64xf32, #tpu.memory_space<vmem_shared>>) dst(%dma_wait3A_400 : memref<200x64xf32, #tpu.memory_space<vmem>>)
      %add3A_404 = arith.constant 3 : i32
      %add3A_405 = arith.addi %mul3A_59, %add3A_404 : i32
      %mul3A_406 = arith.constant 1 : i32
      %mul3A_407 = arith.muli %add3A_405, %mul3A_406 : i32
      %add3A_408 = arith.constant 0 : i32
      %add3A_409 = arith.addi %mul3A_407, %add3A_408 : i32
      %dma_start3A_410 = arith.constant 0 : i32
      %dma_start3A_411 = arith.constant 0 : i32
      %dma_start3A_412 = arith.constant 0 : i32
      %dma_start3A_413 = tpu.memref_slice %arg11[%dma_start3A_410, %dma_start3A_411, %dma_start3A_412] : memref<1x200x64xf32, #tpu.memory_space<vmem>> -> memref<1x200x64xf32, #tpu.memory_space<vmem>>
      %dma_start3A_414 = tpu.memref_squeeze %dma_start3A_413 : memref<1x200x64xf32, #tpu.memory_space<vmem>> -> memref<200x64xf32, #tpu.memory_space<vmem>>
      %dma_start3A_415 = arith.constant 0 : i32
      %dma_start3A_416 = arith.constant 0 : i32
      %dma_start3A_417 = tpu.memref_slice %dma_start3A_414[%dma_start3A_415, %dma_start3A_416] : memref<200x64xf32, #tpu.memory_space<vmem>> -> memref<104x64xf32, #tpu.memory_space<vmem>>
      %dma_start3A_418 = arith.constant 0 : i32
      %dma_start3A_419 = tpu.memref_slice %arg6[%add3A_409, %dma_start3A_418] : memref<128x200xi32, #tpu.memory_space<vmem>> -> memref<1x200xi32, #tpu.memory_space<vmem>>
      %dma_start3A_420 = tpu.memref_squeeze %dma_start3A_419 : memref<1x200xi32, #tpu.memory_space<vmem>> -> memref<200xi32, #tpu.memory_space<vmem>>
      %dma_start3A_421 = arith.constant 0 : i32
      %dma_start3A_422 = tpu.memref_slice %dma_start3A_420[%dma_start3A_421] : memref<200xi32, #tpu.memory_space<vmem>> -> memref<104xi32, #tpu.memory_space<vmem>>
      %dma_start3A_423 = arith.constant 0 : i32
      %dma_start3A_424 = arith.constant 0 : i32
      %dma_start3A_425 = tpu.memref_slice %arg3[%dma_start3A_423, %dma_start3A_424] : memref<100000x64xf32, #tpu.memory_space<hbm>> -> memref<100000x64xf32, #tpu.memory_space<hbm>>
      tpu.enqueue_indirect_dma source(%dma_start3A_425 : memref<100000x64xf32, #tpu.memory_space<hbm>>) target(%dma_start3A_417 : memref<104x64xf32, #tpu.memory_space<vmem>>) offsets(%dma_start3A_422 : memref<104xi32, #tpu.memory_space<vmem>>) semaphore(%arg27 : memref<!tpu.dma_semaphore, #tpu.memory_space<semaphore_mem>>) {add = true}
      %mul3A_426 = arith.constant 1 : i32
      %mul3A_427 = arith.muli %add3A_405, %mul3A_426 : i32
      %add3A_428 = arith.constant 0 : i32
      %add3A_429 = arith.addi %mul3A_427, %add3A_428 : i32
      %dma_start3A_430 = arith.constant 0 : i32
      %dma_start3A_431 = arith.constant 0 : i32
      %dma_start3A_432 = arith.constant 0 : i32
      %dma_start3A_433 = tpu.memref_slice %arg11[%dma_start3A_430, %dma_start3A_431, %dma_start3A_432] : memref<1x200x64xf32, #tpu.memory_space<vmem>> -> memref<1x200x64xf32, #tpu.memory_space<vmem>>
      %dma_start3A_434 = tpu.memref_squeeze %dma_start3A_433 : memref<1x200x64xf32, #tpu.memory_space<vmem>> -> memref<200x64xf32, #tpu.memory_space<vmem>>
      %dma_start3A_435 = arith.constant 104 : i32
      %dma_start3A_436 = arith.constant 0 : i32
      %dma_start3A_437 = tpu.memref_slice %dma_start3A_434[%dma_start3A_435, %dma_start3A_436] : memref<200x64xf32, #tpu.memory_space<vmem>> -> memref<96x64xf32, #tpu.memory_space<vmem>>
      %dma_start3A_438 = arith.constant 0 : i32
      %dma_start3A_439 = tpu.memref_slice %arg6[%add3A_429, %dma_start3A_438] : memref<128x200xi32, #tpu.memory_space<vmem>> -> memref<1x200xi32, #tpu.memory_space<vmem>>
      %dma_start3A_440 = tpu.memref_squeeze %dma_start3A_439 : memref<1x200xi32, #tpu.memory_space<vmem>> -> memref<200xi32, #tpu.memory_space<vmem>>
      %dma_start3A_441 = arith.constant 104 : i32
      %dma_start3A_442 = tpu.memref_slice %dma_start3A_440[%dma_start3A_441] : memref<200xi32, #tpu.memory_space<vmem>> -> memref<96xi32, #tpu.memory_space<vmem>>
      %dma_start3A_443 = arith.constant 0 : i32
      %dma_start3A_444 = arith.constant 0 : i32
      %dma_start3A_445 = tpu.memref_slice %arg3[%dma_start3A_443, %dma_start3A_444] : memref<100000x64xf32, #tpu.memory_space<hbm>> -> memref<100000x64xf32, #tpu.memory_space<hbm>>
      tpu.enqueue_indirect_dma source(%dma_start3A_445 : memref<100000x64xf32, #tpu.memory_space<hbm>>) target(%dma_start3A_437 : memref<96x64xf32, #tpu.memory_space<vmem>>) offsets(%dma_start3A_442 : memref<96xi32, #tpu.memory_space<vmem>>) semaphore(%arg27 : memref<!tpu.dma_semaphore, #tpu.memory_space<semaphore_mem>>) {add = true}
      %dma_wait3A_446 = arith.constant 0 : i32
      %dma_wait3A_447 = arith.constant 0 : i32
      %dma_wait3A_448 = arith.constant 0 : i32
      %dma_wait3A_449 = tpu.memref_slice %arg12[%dma_wait3A_446, %dma_wait3A_447, %dma_wait3A_448] : memref<1x200x64xf32, #tpu.memory_space<vmem>> -> memref<1x200x64xf32, #tpu.memory_space<vmem>>
      %dma_wait3A_450 = tpu.memref_squeeze %dma_wait3A_449 : memref<1x200x64xf32, #tpu.memory_space<vmem>> -> memref<200x64xf32, #tpu.memory_space<vmem>>
      %dma_wait3A_451 = arith.constant 1 : i32
      %dma_wait3A_452 = arith.constant 0 : i32
      %dma_wait3A_453 = tpu.memref_slice %arg7[%dma_wait3A_451, %dma_wait3A_452] : memref<208x64xf32, #tpu.memory_space<vmem_shared>> -> memref<200x64xf32, #tpu.memory_space<vmem_shared>>
      %dma_wait3A_454 = arith.constant 0 : i32
      %dma_wait3A_455 = arith.constant 0 : i32
      %dma_wait3A_456 = tpu.memref_slice %arg12[%dma_wait3A_446, %dma_wait3A_454, %dma_wait3A_455] : memref<1x200x64xf32, #tpu.memory_space<vmem>> -> memref<1x200x64xf32, #tpu.memory_space<vmem>>
      %dma_wait3A_457 = tpu.memref_squeeze %dma_wait3A_456 : memref<1x200x64xf32, #tpu.memory_space<vmem>> -> memref<200x64xf32, #tpu.memory_space<vmem>>
      %dma_wait3A_458 = arith.constant 1 : i32
      %dma_wait3A_459 = arith.constant 0 : i32
      %dma_wait3A_460 = tpu.memref_slice %arg7[%dma_wait3A_458, %dma_wait3A_459] : memref<208x64xf32, #tpu.memory_space<vmem_shared>> -> memref<200x64xf32, #tpu.memory_space<vmem_shared>>
      tpu.wait_dma2 semaphore(%arg20 : memref<!tpu.dma_semaphore, #tpu.memory_space<semaphore_mem>>) src(%dma_wait3A_460 : memref<200x64xf32, #tpu.memory_space<vmem_shared>>) dst(%dma_wait3A_457 : memref<200x64xf32, #tpu.memory_space<vmem>>)
      %add3A_461 = arith.constant 4 : i32
      %add3A_462 = arith.addi %mul3A_59, %add3A_461 : i32
      %mul3A_463 = arith.constant 1 : i32
      %mul3A_464 = arith.muli %add3A_462, %mul3A_463 : i32
      %add3A_465 = arith.constant 0 : i32
      %add3A_466 = arith.addi %mul3A_464, %add3A_465 : i32
      %dma_start3A_467 = arith.constant 0 : i32
      %dma_start3A_468 = arith.constant 0 : i32
      %dma_start3A_469 = arith.constant 0 : i32
      %dma_start3A_470 = tpu.memref_slice %arg12[%dma_start3A_467, %dma_start3A_468, %dma_start3A_469] : memref<1x200x64xf32, #tpu.memory_space<vmem>> -> memref<1x200x64xf32, #tpu.memory_space<vmem>>
      %dma_start3A_471 = tpu.memref_squeeze %dma_start3A_470 : memref<1x200x64xf32, #tpu.memory_space<vmem>> -> memref<200x64xf32, #tpu.memory_space<vmem>>
      %dma_start3A_472 = arith.constant 0 : i32
      %dma_start3A_473 = arith.constant 0 : i32
      %dma_start3A_474 = tpu.memref_slice %dma_start3A_471[%dma_start3A_472, %dma_start3A_473] : memref<200x64xf32, #tpu.memory_space<vmem>> -> memref<104x64xf32, #tpu.memory_space<vmem>>
      %dma_start3A_475 = arith.constant 0 : i32
      %dma_start3A_476 = tpu.memref_slice %arg6[%add3A_466, %dma_start3A_475] : memref<128x200xi32, #tpu.memory_space<vmem>> -> memref<1x200xi32, #tpu.memory_space<vmem>>
      %dma_start3A_477 = tpu.memref_squeeze %dma_start3A_476 : memref<1x200xi32, #tpu.memory_space<vmem>> -> memref<200xi32, #tpu.memory_space<vmem>>
      %dma_start3A_478 = arith.constant 0 : i32
      %dma_start3A_479 = tpu.memref_slice %dma_start3A_477[%dma_start3A_478] : memref<200xi32, #tpu.memory_space<vmem>> -> memref<104xi32, #tpu.memory_space<vmem>>
      %dma_start3A_480 = arith.constant 0 : i32
      %dma_start3A_481 = arith.constant 0 : i32
      %dma_start3A_482 = tpu.memref_slice %arg3[%dma_start3A_480, %dma_start3A_481] : memref<100000x64xf32, #tpu.memory_space<hbm>> -> memref<100000x64xf32, #tpu.memory_space<hbm>>
      tpu.enqueue_indirect_dma source(%dma_start3A_482 : memref<100000x64xf32, #tpu.memory_space<hbm>>) target(%dma_start3A_474 : memref<104x64xf32, #tpu.memory_space<vmem>>) offsets(%dma_start3A_479 : memref<104xi32, #tpu.memory_space<vmem>>) semaphore(%arg28 : memref<!tpu.dma_semaphore, #tpu.memory_space<semaphore_mem>>) {add = true}
      %mul3A_483 = arith.constant 1 : i32
      %mul3A_484 = arith.muli %add3A_462, %mul3A_483 : i32
      %add3A_485 = arith.constant 0 : i32
      %add3A_486 = arith.addi %mul3A_484, %add3A_485 : i32
      %dma_start3A_487 = arith.constant 0 : i32
      %dma_start3A_488 = arith.constant 0 : i32
      %dma_start3A_489 = arith.constant 0 : i32
      %dma_start3A_490 = tpu.memref_slice %arg12[%dma_start3A_487, %dma_start3A_488, %dma_start3A_489] : memref<1x200x64xf32, #tpu.memory_space<vmem>> -> memref<1x200x64xf32, #tpu.memory_space<vmem>>
      %dma_start3A_491 = tpu.memref_squeeze %dma_start3A_490 : memref<1x200x64xf32, #tpu.memory_space<vmem>> -> memref<200x64xf32, #tpu.memory_space<vmem>>
      %dma_start3A_492 = arith.constant 104 : i32
      %dma_start3A_493 = arith.constant 0 : i32
      %dma_start3A_494 = tpu.memref_slice %dma_start3A_491[%dma_start3A_492, %dma_start3A_493] : memref<200x64xf32, #tpu.memory_space<vmem>> -> memref<96x64xf32, #tpu.memory_space<vmem>>
      %dma_start3A_495 = arith.constant 0 : i32
      %dma_start3A_496 = tpu.memref_slice %arg6[%add3A_486, %dma_start3A_495] : memref<128x200xi32, #tpu.memory_space<vmem>> -> memref<1x200xi32, #tpu.memory_space<vmem>>
      %dma_start3A_497 = tpu.memref_squeeze %dma_start3A_496 : memref<1x200xi32, #tpu.memory_space<vmem>> -> memref<200xi32, #tpu.memory_space<vmem>>
      %dma_start3A_498 = arith.constant 104 : i32
      %dma_start3A_499 = tpu.memref_slice %dma_start3A_497[%dma_start3A_498] : memref<200xi32, #tpu.memory_space<vmem>> -> memref<96xi32, #tpu.memory_space<vmem>>
      %dma_start3A_500 = arith.constant 0 : i32
      %dma_start3A_501 = arith.constant 0 : i32
      %dma_start3A_502 = tpu.memref_slice %arg3[%dma_start3A_500, %dma_start3A_501] : memref<100000x64xf32, #tpu.memory_space<hbm>> -> memref<100000x64xf32, #tpu.memory_space<hbm>>
      tpu.enqueue_indirect_dma source(%dma_start3A_502 : memref<100000x64xf32, #tpu.memory_space<hbm>>) target(%dma_start3A_494 : memref<96x64xf32, #tpu.memory_space<vmem>>) offsets(%dma_start3A_499 : memref<96xi32, #tpu.memory_space<vmem>>) semaphore(%arg28 : memref<!tpu.dma_semaphore, #tpu.memory_space<semaphore_mem>>) {add = true}
      %dma_wait3A_503 = arith.constant 0 : i32
      %dma_wait3A_504 = arith.constant 0 : i32
      %dma_wait3A_505 = arith.constant 0 : i32
      %dma_wait3A_506 = tpu.memref_slice %arg13[%dma_wait3A_503, %dma_wait3A_504, %dma_wait3A_505] : memref<1x200x64xf32, #tpu.memory_space<vmem>> -> memref<1x200x64xf32, #tpu.memory_space<vmem>>
      %dma_wait3A_507 = tpu.memref_squeeze %dma_wait3A_506 : memref<1x200x64xf32, #tpu.memory_space<vmem>> -> memref<200x64xf32, #tpu.memory_space<vmem>>
      %dma_wait3A_508 = arith.constant 1 : i32
      %dma_wait3A_509 = arith.constant 0 : i32
      %dma_wait3A_510 = tpu.memref_slice %arg7[%dma_wait3A_508, %dma_wait3A_509] : memref<208x64xf32, #tpu.memory_space<vmem_shared>> -> memref<200x64xf32, #tpu.memory_space<vmem_shared>>
      %dma_wait3A_511 = arith.constant 0 : i32
      %dma_wait3A_512 = arith.constant 0 : i32
      %dma_wait3A_513 = tpu.memref_slice %arg13[%dma_wait3A_503, %dma_wait3A_511, %dma_wait3A_512] : memref<1x200x64xf32, #tpu.memory_space<vmem>> -> memref<1x200x64xf32, #tpu.memory_space<vmem>>
      %dma_wait3A_514 = tpu.memref_squeeze %dma_wait3A_513 : memref<1x200x64xf32, #tpu.memory_space<vmem>> -> memref<200x64xf32, #tpu.memory_space<vmem>>
      %dma_wait3A_515 = arith.constant 1 : i32
      %dma_wait3A_516 = arith.constant 0 : i32
      %dma_wait3A_517 = tpu.memref_slice %arg7[%dma_wait3A_515, %dma_wait3A_516] : memref<208x64xf32, #tpu.memory_space<vmem_shared>> -> memref<200x64xf32, #tpu.memory_space<vmem_shared>>
      tpu.wait_dma2 semaphore(%arg21 : memref<!tpu.dma_semaphore, #tpu.memory_space<semaphore_mem>>) src(%dma_wait3A_517 : memref<200x64xf32, #tpu.memory_space<vmem_shared>>) dst(%dma_wait3A_514 : memref<200x64xf32, #tpu.memory_space<vmem>>)
      %add3A_518 = arith.constant 5 : i32
      %add3A_519 = arith.addi %mul3A_59, %add3A_518 : i32
      %mul3A_520 = arith.constant 1 : i32
      %mul3A_521 = arith.muli %add3A_519, %mul3A_520 : i32
      %add3A_522 = arith.constant 0 : i32
      %add3A_523 = arith.addi %mul3A_521, %add3A_522 : i32
      %dma_start3A_524 = arith.constant 0 : i32
      %dma_start3A_525 = arith.constant 0 : i32
      %dma_start3A_526 = arith.constant 0 : i32
      %dma_start3A_527 = tpu.memref_slice %arg13[%dma_start3A_524, %dma_start3A_525, %dma_start3A_526] : memref<1x200x64xf32, #tpu.memory_space<vmem>> -> memref<1x200x64xf32, #tpu.memory_space<vmem>>
      %dma_start3A_528 = tpu.memref_squeeze %dma_start3A_527 : memref<1x200x64xf32, #tpu.memory_space<vmem>> -> memref<200x64xf32, #tpu.memory_space<vmem>>
      %dma_start3A_529 = arith.constant 0 : i32
      %dma_start3A_530 = arith.constant 0 : i32
      %dma_start3A_531 = tpu.memref_slice %dma_start3A_528[%dma_start3A_529, %dma_start3A_530] : memref<200x64xf32, #tpu.memory_space<vmem>> -> memref<104x64xf32, #tpu.memory_space<vmem>>
      %dma_start3A_532 = arith.constant 0 : i32
      %dma_start3A_533 = tpu.memref_slice %arg6[%add3A_523, %dma_start3A_532] : memref<128x200xi32, #tpu.memory_space<vmem>> -> memref<1x200xi32, #tpu.memory_space<vmem>>
      %dma_start3A_534 = tpu.memref_squeeze %dma_start3A_533 : memref<1x200xi32, #tpu.memory_space<vmem>> -> memref<200xi32, #tpu.memory_space<vmem>>
      %dma_start3A_535 = arith.constant 0 : i32
      %dma_start3A_536 = tpu.memref_slice %dma_start3A_534[%dma_start3A_535] : memref<200xi32, #tpu.memory_space<vmem>> -> memref<104xi32, #tpu.memory_space<vmem>>
      %dma_start3A_537 = arith.constant 0 : i32
      %dma_start3A_538 = arith.constant 0 : i32
      %dma_start3A_539 = tpu.memref_slice %arg3[%dma_start3A_537, %dma_start3A_538] : memref<100000x64xf32, #tpu.memory_space<hbm>> -> memref<100000x64xf32, #tpu.memory_space<hbm>>
      tpu.enqueue_indirect_dma source(%dma_start3A_539 : memref<100000x64xf32, #tpu.memory_space<hbm>>) target(%dma_start3A_531 : memref<104x64xf32, #tpu.memory_space<vmem>>) offsets(%dma_start3A_536 : memref<104xi32, #tpu.memory_space<vmem>>) semaphore(%arg29 : memref<!tpu.dma_semaphore, #tpu.memory_space<semaphore_mem>>) {add = true}
      %mul3A_540 = arith.constant 1 : i32
      %mul3A_541 = arith.muli %add3A_519, %mul3A_540 : i32
      %add3A_542 = arith.constant 0 : i32
      %add3A_543 = arith.addi %mul3A_541, %add3A_542 : i32
      %dma_start3A_544 = arith.constant 0 : i32
      %dma_start3A_545 = arith.constant 0 : i32
      %dma_start3A_546 = arith.constant 0 : i32
      %dma_start3A_547 = tpu.memref_slice %arg13[%dma_start3A_544, %dma_start3A_545, %dma_start3A_546] : memref<1x200x64xf32, #tpu.memory_space<vmem>> -> memref<1x200x64xf32, #tpu.memory_space<vmem>>
      %dma_start3A_548 = tpu.memref_squeeze %dma_start3A_547 : memref<1x200x64xf32, #tpu.memory_space<vmem>> -> memref<200x64xf32, #tpu.memory_space<vmem>>
      %dma_start3A_549 = arith.constant 104 : i32
      %dma_start3A_550 = arith.constant 0 : i32
      %dma_start3A_551 = tpu.memref_slice %dma_start3A_548[%dma_start3A_549, %dma_start3A_550] : memref<200x64xf32, #tpu.memory_space<vmem>> -> memref<96x64xf32, #tpu.memory_space<vmem>>
      %dma_start3A_552 = arith.constant 0 : i32
      %dma_start3A_553 = tpu.memref_slice %arg6[%add3A_543, %dma_start3A_552] : memref<128x200xi32, #tpu.memory_space<vmem>> -> memref<1x200xi32, #tpu.memory_space<vmem>>
      %dma_start3A_554 = tpu.memref_squeeze %dma_start3A_553 : memref<1x200xi32, #tpu.memory_space<vmem>> -> memref<200xi32, #tpu.memory_space<vmem>>
      %dma_start3A_555 = arith.constant 104 : i32
      %dma_start3A_556 = tpu.memref_slice %dma_start3A_554[%dma_start3A_555] : memref<200xi32, #tpu.memory_space<vmem>> -> memref<96xi32, #tpu.memory_space<vmem>>
      %dma_start3A_557 = arith.constant 0 : i32
      %dma_start3A_558 = arith.constant 0 : i32
      %dma_start3A_559 = tpu.memref_slice %arg3[%dma_start3A_557, %dma_start3A_558] : memref<100000x64xf32, #tpu.memory_space<hbm>> -> memref<100000x64xf32, #tpu.memory_space<hbm>>
      tpu.enqueue_indirect_dma source(%dma_start3A_559 : memref<100000x64xf32, #tpu.memory_space<hbm>>) target(%dma_start3A_551 : memref<96x64xf32, #tpu.memory_space<vmem>>) offsets(%dma_start3A_556 : memref<96xi32, #tpu.memory_space<vmem>>) semaphore(%arg29 : memref<!tpu.dma_semaphore, #tpu.memory_space<semaphore_mem>>) {add = true}
      %dma_wait3A_560 = arith.constant 0 : i32
      %dma_wait3A_561 = arith.constant 0 : i32
      %dma_wait3A_562 = arith.constant 0 : i32
      %dma_wait3A_563 = tpu.memref_slice %arg14[%dma_wait3A_560, %dma_wait3A_561, %dma_wait3A_562] : memref<1x200x64xf32, #tpu.memory_space<vmem>> -> memref<1x200x64xf32, #tpu.memory_space<vmem>>
      %dma_wait3A_564 = tpu.memref_squeeze %dma_wait3A_563 : memref<1x200x64xf32, #tpu.memory_space<vmem>> -> memref<200x64xf32, #tpu.memory_space<vmem>>
      %dma_wait3A_565 = arith.constant 1 : i32
      %dma_wait3A_566 = arith.constant 0 : i32
      %dma_wait3A_567 = tpu.memref_slice %arg7[%dma_wait3A_565, %dma_wait3A_566] : memref<208x64xf32, #tpu.memory_space<vmem_shared>> -> memref<200x64xf32, #tpu.memory_space<vmem_shared>>
      %dma_wait3A_568 = arith.constant 0 : i32
      %dma_wait3A_569 = arith.constant 0 : i32
      %dma_wait3A_570 = tpu.memref_slice %arg14[%dma_wait3A_560, %dma_wait3A_568, %dma_wait3A_569] : memref<1x200x64xf32, #tpu.memory_space<vmem>> -> memref<1x200x64xf32, #tpu.memory_space<vmem>>
      %dma_wait3A_571 = tpu.memref_squeeze %dma_wait3A_570 : memref<1x200x64xf32, #tpu.memory_space<vmem>> -> memref<200x64xf32, #tpu.memory_space<vmem>>
      %dma_wait3A_572 = arith.constant 1 : i32
      %dma_wait3A_573 = arith.constant 0 : i32
      %dma_wait3A_574 = tpu.memref_slice %arg7[%dma_wait3A_572, %dma_wait3A_573] : memref<208x64xf32, #tpu.memory_space<vmem_shared>> -> memref<200x64xf32, #tpu.memory_space<vmem_shared>>
      tpu.wait_dma2 semaphore(%arg22 : memref<!tpu.dma_semaphore, #tpu.memory_space<semaphore_mem>>) src(%dma_wait3A_574 : memref<200x64xf32, #tpu.memory_space<vmem_shared>>) dst(%dma_wait3A_571 : memref<200x64xf32, #tpu.memory_space<vmem>>)
      %add3A_575 = arith.constant 6 : i32
      %add3A_576 = arith.addi %mul3A_59, %add3A_575 : i32
      %mul3A_577 = arith.constant 1 : i32
      %mul3A_578 = arith.muli %add3A_576, %mul3A_577 : i32
      %add3A_579 = arith.constant 0 : i32
      %add3A_580 = arith.addi %mul3A_578, %add3A_579 : i32
      %dma_start3A_581 = arith.constant 0 : i32
      %dma_start3A_582 = arith.constant 0 : i32
      %dma_start3A_583 = arith.constant 0 : i32
      %dma_start3A_584 = tpu.memref_slice %arg14[%dma_start3A_581, %dma_start3A_582, %dma_start3A_583] : memref<1x200x64xf32, #tpu.memory_space<vmem>> -> memref<1x200x64xf32, #tpu.memory_space<vmem>>
      %dma_start3A_585 = tpu.memref_squeeze %dma_start3A_584 : memref<1x200x64xf32, #tpu.memory_space<vmem>> -> memref<200x64xf32, #tpu.memory_space<vmem>>
      %dma_start3A_586 = arith.constant 0 : i32
      %dma_start3A_587 = arith.constant 0 : i32
      %dma_start3A_588 = tpu.memref_slice %dma_start3A_585[%dma_start3A_586, %dma_start3A_587] : memref<200x64xf32, #tpu.memory_space<vmem>> -> memref<104x64xf32, #tpu.memory_space<vmem>>
      %dma_start3A_589 = arith.constant 0 : i32
      %dma_start3A_590 = tpu.memref_slice %arg6[%add3A_580, %dma_start3A_589] : memref<128x200xi32, #tpu.memory_space<vmem>> -> memref<1x200xi32, #tpu.memory_space<vmem>>
      %dma_start3A_591 = tpu.memref_squeeze %dma_start3A_590 : memref<1x200xi32, #tpu.memory_space<vmem>> -> memref<200xi32, #tpu.memory_space<vmem>>
      %dma_start3A_592 = arith.constant 0 : i32
      %dma_start3A_593 = tpu.memref_slice %dma_start3A_591[%dma_start3A_592] : memref<200xi32, #tpu.memory_space<vmem>> -> memref<104xi32, #tpu.memory_space<vmem>>
      %dma_start3A_594 = arith.constant 0 : i32
      %dma_start3A_595 = arith.constant 0 : i32
      %dma_start3A_596 = tpu.memref_slice %arg3[%dma_start3A_594, %dma_start3A_595] : memref<100000x64xf32, #tpu.memory_space<hbm>> -> memref<100000x64xf32, #tpu.memory_space<hbm>>
      tpu.enqueue_indirect_dma source(%dma_start3A_596 : memref<100000x64xf32, #tpu.memory_space<hbm>>) target(%dma_start3A_588 : memref<104x64xf32, #tpu.memory_space<vmem>>) offsets(%dma_start3A_593 : memref<104xi32, #tpu.memory_space<vmem>>) semaphore(%arg30 : memref<!tpu.dma_semaphore, #tpu.memory_space<semaphore_mem>>) {add = true}
      %mul3A_597 = arith.constant 1 : i32
      %mul3A_598 = arith.muli %add3A_576, %mul3A_597 : i32
      %add3A_599 = arith.constant 0 : i32
      %add3A_600 = arith.addi %mul3A_598, %add3A_599 : i32
      %dma_start3A_601 = arith.constant 0 : i32
      %dma_start3A_602 = arith.constant 0 : i32
      %dma_start3A_603 = arith.constant 0 : i32
      %dma_start3A_604 = tpu.memref_slice %arg14[%dma_start3A_601, %dma_start3A_602, %dma_start3A_603] : memref<1x200x64xf32, #tpu.memory_space<vmem>> -> memref<1x200x64xf32, #tpu.memory_space<vmem>>
      %dma_start3A_605 = tpu.memref_squeeze %dma_start3A_604 : memref<1x200x64xf32, #tpu.memory_space<vmem>> -> memref<200x64xf32, #tpu.memory_space<vmem>>
      %dma_start3A_606 = arith.constant 104 : i32
      %dma_start3A_607 = arith.constant 0 : i32
      %dma_start3A_608 = tpu.memref_slice %dma_start3A_605[%dma_start3A_606, %dma_start3A_607] : memref<200x64xf32, #tpu.memory_space<vmem>> -> memref<96x64xf32, #tpu.memory_space<vmem>>
      %dma_start3A_609 = arith.constant 0 : i32
      %dma_start3A_610 = tpu.memref_slice %arg6[%add3A_600, %dma_start3A_609] : memref<128x200xi32, #tpu.memory_space<vmem>> -> memref<1x200xi32, #tpu.memory_space<vmem>>
      %dma_start3A_611 = tpu.memref_squeeze %dma_start3A_610 : memref<1x200xi32, #tpu.memory_space<vmem>> -> memref<200xi32, #tpu.memory_space<vmem>>
      %dma_start3A_612 = arith.constant 104 : i32
      %dma_start3A_613 = tpu.memref_slice %dma_start3A_611[%dma_start3A_612] : memref<200xi32, #tpu.memory_space<vmem>> -> memref<96xi32, #tpu.memory_space<vmem>>
      %dma_start3A_614 = arith.constant 0 : i32
      %dma_start3A_615 = arith.constant 0 : i32
      %dma_start3A_616 = tpu.memref_slice %arg3[%dma_start3A_614, %dma_start3A_615] : memref<100000x64xf32, #tpu.memory_space<hbm>> -> memref<100000x64xf32, #tpu.memory_space<hbm>>
      tpu.enqueue_indirect_dma source(%dma_start3A_616 : memref<100000x64xf32, #tpu.memory_space<hbm>>) target(%dma_start3A_608 : memref<96x64xf32, #tpu.memory_space<vmem>>) offsets(%dma_start3A_613 : memref<96xi32, #tpu.memory_space<vmem>>) semaphore(%arg30 : memref<!tpu.dma_semaphore, #tpu.memory_space<semaphore_mem>>) {add = true}
      %dma_wait3A_617 = arith.constant 0 : i32
      %dma_wait3A_618 = arith.constant 0 : i32
      %dma_wait3A_619 = arith.constant 0 : i32
      %dma_wait3A_620 = tpu.memref_slice %arg15[%dma_wait3A_617, %dma_wait3A_618, %dma_wait3A_619] : memref<1x200x64xf32, #tpu.memory_space<vmem>> -> memref<1x200x64xf32, #tpu.memory_space<vmem>>
      %dma_wait3A_621 = tpu.memref_squeeze %dma_wait3A_620 : memref<1x200x64xf32, #tpu.memory_space<vmem>> -> memref<200x64xf32, #tpu.memory_space<vmem>>
      %dma_wait3A_622 = arith.constant 1 : i32
      %dma_wait3A_623 = arith.constant 0 : i32
      %dma_wait3A_624 = tpu.memref_slice %arg7[%dma_wait3A_622, %dma_wait3A_623] : memref<208x64xf32, #tpu.memory_space<vmem_shared>> -> memref<200x64xf32, #tpu.memory_space<vmem_shared>>
      %dma_wait3A_625 = arith.constant 0 : i32
      %dma_wait3A_626 = arith.constant 0 : i32
      %dma_wait3A_627 = tpu.memref_slice %arg15[%dma_wait3A_617, %dma_wait3A_625, %dma_wait3A_626] : memref<1x200x64xf32, #tpu.memory_space<vmem>> -> memref<1x200x64xf32, #tpu.memory_space<vmem>>
      %dma_wait3A_628 = tpu.memref_squeeze %dma_wait3A_627 : memref<1x200x64xf32, #tpu.memory_space<vmem>> -> memref<200x64xf32, #tpu.memory_space<vmem>>
      %dma_wait3A_629 = arith.constant 1 : i32
      %dma_wait3A_630 = arith.constant 0 : i32
      %dma_wait3A_631 = tpu.memref_slice %arg7[%dma_wait3A_629, %dma_wait3A_630] : memref<208x64xf32, #tpu.memory_space<vmem_shared>> -> memref<200x64xf32, #tpu.memory_space<vmem_shared>>
      tpu.wait_dma2 semaphore(%arg23 : memref<!tpu.dma_semaphore, #tpu.memory_space<semaphore_mem>>) src(%dma_wait3A_631 : memref<200x64xf32, #tpu.memory_space<vmem_shared>>) dst(%dma_wait3A_628 : memref<200x64xf32, #tpu.memory_space<vmem>>)
      %add3A_632 = arith.constant 7 : i32
      %add3A_633 = arith.addi %mul3A_59, %add3A_632 : i32
      %mul3A_634 = arith.constant 1 : i32
      %mul3A_635 = arith.muli %add3A_633, %mul3A_634 : i32
      %add3A_636 = arith.constant 0 : i32
      %add3A_637 = arith.addi %mul3A_635, %add3A_636 : i32
      %dma_start3A_638 = arith.constant 0 : i32
      %dma_start3A_639 = arith.constant 0 : i32
      %dma_start3A_640 = arith.constant 0 : i32
      %dma_start3A_641 = tpu.memref_slice %arg15[%dma_start3A_638, %dma_start3A_639, %dma_start3A_640] : memref<1x200x64xf32, #tpu.memory_space<vmem>> -> memref<1x200x64xf32, #tpu.memory_space<vmem>>
      %dma_start3A_642 = tpu.memref_squeeze %dma_start3A_641 : memref<1x200x64xf32, #tpu.memory_space<vmem>> -> memref<200x64xf32, #tpu.memory_space<vmem>>
      %dma_start3A_643 = arith.constant 0 : i32
      %dma_start3A_644 = arith.constant 0 : i32
      %dma_start3A_645 = tpu.memref_slice %dma_start3A_642[%dma_start3A_643, %dma_start3A_644] : memref<200x64xf32, #tpu.memory_space<vmem>> -> memref<104x64xf32, #tpu.memory_space<vmem>>
      %dma_start3A_646 = arith.constant 0 : i32
      %dma_start3A_647 = tpu.memref_slice %arg6[%add3A_637, %dma_start3A_646] : memref<128x200xi32, #tpu.memory_space<vmem>> -> memref<1x200xi32, #tpu.memory_space<vmem>>
      %dma_start3A_648 = tpu.memref_squeeze %dma_start3A_647 : memref<1x200xi32, #tpu.memory_space<vmem>> -> memref<200xi32, #tpu.memory_space<vmem>>
      %dma_start3A_649 = arith.constant 0 : i32
      %dma_start3A_650 = tpu.memref_slice %dma_start3A_648[%dma_start3A_649] : memref<200xi32, #tpu.memory_space<vmem>> -> memref<104xi32, #tpu.memory_space<vmem>>
      %dma_start3A_651 = arith.constant 0 : i32
      %dma_start3A_652 = arith.constant 0 : i32
      %dma_start3A_653 = tpu.memref_slice %arg3[%dma_start3A_651, %dma_start3A_652] : memref<100000x64xf32, #tpu.memory_space<hbm>> -> memref<100000x64xf32, #tpu.memory_space<hbm>>
      tpu.enqueue_indirect_dma source(%dma_start3A_653 : memref<100000x64xf32, #tpu.memory_space<hbm>>) target(%dma_start3A_645 : memref<104x64xf32, #tpu.memory_space<vmem>>) offsets(%dma_start3A_650 : memref<104xi32, #tpu.memory_space<vmem>>) semaphore(%arg31 : memref<!tpu.dma_semaphore, #tpu.memory_space<semaphore_mem>>) {add = true}
      %mul3A_654 = arith.constant 1 : i32
      %mul3A_655 = arith.muli %add3A_633, %mul3A_654 : i32
      %add3A_656 = arith.constant 0 : i32
      %add3A_657 = arith.addi %mul3A_655, %add3A_656 : i32
      %dma_start3A_658 = arith.constant 0 : i32
      %dma_start3A_659 = arith.constant 0 : i32
      %dma_start3A_660 = arith.constant 0 : i32
      %dma_start3A_661 = tpu.memref_slice %arg15[%dma_start3A_658, %dma_start3A_659, %dma_start3A_660] : memref<1x200x64xf32, #tpu.memory_space<vmem>> -> memref<1x200x64xf32, #tpu.memory_space<vmem>>
      %dma_start3A_662 = tpu.memref_squeeze %dma_start3A_661 : memref<1x200x64xf32, #tpu.memory_space<vmem>> -> memref<200x64xf32, #tpu.memory_space<vmem>>
      %dma_start3A_663 = arith.constant 104 : i32
      %dma_start3A_664 = arith.constant 0 : i32
      %dma_start3A_665 = tpu.memref_slice %dma_start3A_662[%dma_start3A_663, %dma_start3A_664] : memref<200x64xf32, #tpu.memory_space<vmem>> -> memref<96x64xf32, #tpu.memory_space<vmem>>
      %dma_start3A_666 = arith.constant 0 : i32
      %dma_start3A_667 = tpu.memref_slice %arg6[%add3A_657, %dma_start3A_666] : memref<128x200xi32, #tpu.memory_space<vmem>> -> memref<1x200xi32, #tpu.memory_space<vmem>>
      %dma_start3A_668 = tpu.memref_squeeze %dma_start3A_667 : memref<1x200xi32, #tpu.memory_space<vmem>> -> memref<200xi32, #tpu.memory_space<vmem>>
      %dma_start3A_669 = arith.constant 104 : i32
      %dma_start3A_670 = tpu.memref_slice %dma_start3A_668[%dma_start3A_669] : memref<200xi32, #tpu.memory_space<vmem>> -> memref<96xi32, #tpu.memory_space<vmem>>
      %dma_start3A_671 = arith.constant 0 : i32
      %dma_start3A_672 = arith.constant 0 : i32
      %dma_start3A_673 = tpu.memref_slice %arg3[%dma_start3A_671, %dma_start3A_672] : memref<100000x64xf32, #tpu.memory_space<hbm>> -> memref<100000x64xf32, #tpu.memory_space<hbm>>
      tpu.enqueue_indirect_dma source(%dma_start3A_673 : memref<100000x64xf32, #tpu.memory_space<hbm>>) target(%dma_start3A_665 : memref<96x64xf32, #tpu.memory_space<vmem>>) offsets(%dma_start3A_670 : memref<96xi32, #tpu.memory_space<vmem>>) semaphore(%arg31 : memref<!tpu.dma_semaphore, #tpu.memory_space<semaphore_mem>>) {add = true}
      %dma_wait3A_674 = arith.constant 0 : i32
      %dma_wait3A_675 = arith.constant 0 : i32
      %dma_wait3A_676 = arith.constant 0 : i32
      %dma_wait3A_677 = tpu.memref_slice %arg8[%dma_wait3A_674, %dma_wait3A_675, %dma_wait3A_676] : memref<1x200x64xf32, #tpu.memory_space<vmem>> -> memref<1x200x64xf32, #tpu.memory_space<vmem>>
      %dma_wait3A_678 = tpu.memref_squeeze %dma_wait3A_677 : memref<1x200x64xf32, #tpu.memory_space<vmem>> -> memref<200x64xf32, #tpu.memory_space<vmem>>
      %dma_wait3A_679 = arith.constant 0 : i32
      %dma_wait3A_680 = arith.constant 0 : i32
      %dma_wait3A_681 = tpu.memref_slice %dma_wait3A_678[%dma_wait3A_679, %dma_wait3A_680] : memref<200x64xf32, #tpu.memory_space<vmem>> -> memref<104x64xf32, #tpu.memory_space<vmem>>
      %dma_wait3A_682 = arith.constant 0 : i32
      %dma_wait3A_683 = tpu.memref_slice %arg6[%add3A_238, %dma_wait3A_682] : memref<128x200xi32, #tpu.memory_space<vmem>> -> memref<1x200xi32, #tpu.memory_space<vmem>>
      %dma_wait3A_684 = tpu.memref_squeeze %dma_wait3A_683 : memref<1x200xi32, #tpu.memory_space<vmem>> -> memref<200xi32, #tpu.memory_space<vmem>>
      %dma_wait3A_685 = arith.constant 0 : i32
      %dma_wait3A_686 = tpu.memref_slice %dma_wait3A_684[%dma_wait3A_685] : memref<200xi32, #tpu.memory_space<vmem>> -> memref<104xi32, #tpu.memory_space<vmem>>
      %dma_wait3A_687 = arith.constant 0 : i32
      %dma_wait3A_688 = arith.constant 0 : i32
      %dma_wait3A_689 = tpu.memref_slice %arg3[%dma_wait3A_687, %dma_wait3A_688] : memref<100000x64xf32, #tpu.memory_space<hbm>> -> memref<100000x64xf32, #tpu.memory_space<hbm>>
      tpu.wait_indirect_dma semaphore(%arg24 : memref<!tpu.dma_semaphore, #tpu.memory_space<semaphore_mem>>) src(%dma_wait3A_689 : memref<100000x64xf32, #tpu.memory_space<hbm>>) dst(%dma_wait3A_681 : memref<104x64xf32, #tpu.memory_space<vmem>>)
      %dma_wait3A_690 = arith.constant 0 : i32
      %dma_wait3A_691 = arith.constant 0 : i32
      %dma_wait3A_692 = arith.constant 0 : i32
      %dma_wait3A_693 = tpu.memref_slice %arg8[%dma_wait3A_690, %dma_wait3A_691, %dma_wait3A_692] : memref<1x200x64xf32, #tpu.memory_space<vmem>> -> memref<1x200x64xf32, #tpu.memory_space<vmem>>
      %dma_wait3A_694 = tpu.memref_squeeze %dma_wait3A_693 : memref<1x200x64xf32, #tpu.memory_space<vmem>> -> memref<200x64xf32, #tpu.memory_space<vmem>>
      %dma_wait3A_695 = arith.constant 104 : i32
      %dma_wait3A_696 = arith.constant 0 : i32
      %dma_wait3A_697 = tpu.memref_slice %dma_wait3A_694[%dma_wait3A_695, %dma_wait3A_696] : memref<200x64xf32, #tpu.memory_space<vmem>> -> memref<96x64xf32, #tpu.memory_space<vmem>>
      %dma_wait3A_698 = arith.constant 0 : i32
      %dma_wait3A_699 = tpu.memref_slice %arg6[%add3A_258, %dma_wait3A_698] : memref<128x200xi32, #tpu.memory_space<vmem>> -> memref<1x200xi32, #tpu.memory_space<vmem>>
      %dma_wait3A_700 = tpu.memref_squeeze %dma_wait3A_699 : memref<1x200xi32, #tpu.memory_space<vmem>> -> memref<200xi32, #tpu.memory_space<vmem>>
      %dma_wait3A_701 = arith.constant 104 : i32
      %dma_wait3A_702 = tpu.memref_slice %dma_wait3A_700[%dma_wait3A_701] : memref<200xi32, #tpu.memory_space<vmem>> -> memref<96xi32, #tpu.memory_space<vmem>>
      %dma_wait3A_703 = arith.constant 0 : i32
      %dma_wait3A_704 = arith.constant 0 : i32
      %dma_wait3A_705 = tpu.memref_slice %arg3[%dma_wait3A_703, %dma_wait3A_704] : memref<100000x64xf32, #tpu.memory_space<hbm>> -> memref<100000x64xf32, #tpu.memory_space<hbm>>
      tpu.wait_indirect_dma semaphore(%arg24 : memref<!tpu.dma_semaphore, #tpu.memory_space<semaphore_mem>>) src(%dma_wait3A_705 : memref<100000x64xf32, #tpu.memory_space<hbm>>) dst(%dma_wait3A_697 : memref<96x64xf32, #tpu.memory_space<vmem>>)
      %add3A_706 = arith.constant 0 : i32
      %add3A_707 = arith.addi %mul3A_59, %add3A_706 : i32
      %mul3A_708 = arith.constant 1 : i32
      %mul3A_709 = arith.muli %add3A_707, %mul3A_708 : i32
      %add3A_710 = arith.addi %mul3A_2, %mul3A_709 : i32
      %dma_start3A_711 = arith.constant 0 : i32
      %dma_start3A_712 = arith.constant 0 : i32
      %dma_start3A_713 = tpu.memref_slice %arg5[%add3A_710, %dma_start3A_711, %dma_start3A_712] : memref<4096x200x64xf32, #tpu.memory_space<hbm>> -> memref<1x200x64xf32, #tpu.memory_space<hbm>>
      %dma_start3A_714 = arith.constant 0 : i32
      %dma_start3A_715 = arith.constant 0 : i32
      %dma_start3A_716 = tpu.memref_slice %arg5[%add3A_710, %dma_start3A_714, %dma_start3A_715] : memref<4096x200x64xf32, #tpu.memory_space<hbm>> -> memref<1x200x64xf32, #tpu.memory_space<hbm>>
      tpu.enqueue_dma source(%arg8 : memref<1x200x64xf32, #tpu.memory_space<vmem>>) target(%dma_start3A_716 : memref<1x200x64xf32, #tpu.memory_space<hbm>>) target_semaphore(%arg32 : memref<!tpu.dma_semaphore, #tpu.memory_space<semaphore_mem>>)
      %dma_wait3A_717 = arith.constant 0 : i32
      %dma_wait3A_718 = arith.constant 0 : i32
      %dma_wait3A_719 = arith.constant 0 : i32
      %dma_wait3A_720 = tpu.memref_slice %arg9[%dma_wait3A_717, %dma_wait3A_718, %dma_wait3A_719] : memref<1x200x64xf32, #tpu.memory_space<vmem>> -> memref<1x200x64xf32, #tpu.memory_space<vmem>>
      %dma_wait3A_721 = tpu.memref_squeeze %dma_wait3A_720 : memref<1x200x64xf32, #tpu.memory_space<vmem>> -> memref<200x64xf32, #tpu.memory_space<vmem>>
      %dma_wait3A_722 = arith.constant 0 : i32
      %dma_wait3A_723 = arith.constant 0 : i32
      %dma_wait3A_724 = tpu.memref_slice %dma_wait3A_721[%dma_wait3A_722, %dma_wait3A_723] : memref<200x64xf32, #tpu.memory_space<vmem>> -> memref<104x64xf32, #tpu.memory_space<vmem>>
      %dma_wait3A_725 = arith.constant 0 : i32
      %dma_wait3A_726 = tpu.memref_slice %arg6[%add3A_295, %dma_wait3A_725] : memref<128x200xi32, #tpu.memory_space<vmem>> -> memref<1x200xi32, #tpu.memory_space<vmem>>
      %dma_wait3A_727 = tpu.memref_squeeze %dma_wait3A_726 : memref<1x200xi32, #tpu.memory_space<vmem>> -> memref<200xi32, #tpu.memory_space<vmem>>
      %dma_wait3A_728 = arith.constant 0 : i32
      %dma_wait3A_729 = tpu.memref_slice %dma_wait3A_727[%dma_wait3A_728] : memref<200xi32, #tpu.memory_space<vmem>> -> memref<104xi32, #tpu.memory_space<vmem>>
      %dma_wait3A_730 = arith.constant 0 : i32
      %dma_wait3A_731 = arith.constant 0 : i32
      %dma_wait3A_732 = tpu.memref_slice %arg3[%dma_wait3A_730, %dma_wait3A_731] : memref<100000x64xf32, #tpu.memory_space<hbm>> -> memref<100000x64xf32, #tpu.memory_space<hbm>>
      tpu.wait_indirect_dma semaphore(%arg25 : memref<!tpu.dma_semaphore, #tpu.memory_space<semaphore_mem>>) src(%dma_wait3A_732 : memref<100000x64xf32, #tpu.memory_space<hbm>>) dst(%dma_wait3A_724 : memref<104x64xf32, #tpu.memory_space<vmem>>)
      %dma_wait3A_733 = arith.constant 0 : i32
      %dma_wait3A_734 = arith.constant 0 : i32
      %dma_wait3A_735 = arith.constant 0 : i32
      %dma_wait3A_736 = tpu.memref_slice %arg9[%dma_wait3A_733, %dma_wait3A_734, %dma_wait3A_735] : memref<1x200x64xf32, #tpu.memory_space<vmem>> -> memref<1x200x64xf32, #tpu.memory_space<vmem>>
      %dma_wait3A_737 = tpu.memref_squeeze %dma_wait3A_736 : memref<1x200x64xf32, #tpu.memory_space<vmem>> -> memref<200x64xf32, #tpu.memory_space<vmem>>
      %dma_wait3A_738 = arith.constant 104 : i32
      %dma_wait3A_739 = arith.constant 0 : i32
      %dma_wait3A_740 = tpu.memref_slice %dma_wait3A_737[%dma_wait3A_738, %dma_wait3A_739] : memref<200x64xf32, #tpu.memory_space<vmem>> -> memref<96x64xf32, #tpu.memory_space<vmem>>
      %dma_wait3A_741 = arith.constant 0 : i32
      %dma_wait3A_742 = tpu.memref_slice %arg6[%add3A_315, %dma_wait3A_741] : memref<128x200xi32, #tpu.memory_space<vmem>> -> memref<1x200xi32, #tpu.memory_space<vmem>>
      %dma_wait3A_743 = tpu.memref_squeeze %dma_wait3A_742 : memref<1x200xi32, #tpu.memory_space<vmem>> -> memref<200xi32, #tpu.memory_space<vmem>>
      %dma_wait3A_744 = arith.constant 104 : i32
      %dma_wait3A_745 = tpu.memref_slice %dma_wait3A_743[%dma_wait3A_744] : memref<200xi32, #tpu.memory_space<vmem>> -> memref<96xi32, #tpu.memory_space<vmem>>
      %dma_wait3A_746 = arith.constant 0 : i32
      %dma_wait3A_747 = arith.constant 0 : i32
      %dma_wait3A_748 = tpu.memref_slice %arg3[%dma_wait3A_746, %dma_wait3A_747] : memref<100000x64xf32, #tpu.memory_space<hbm>> -> memref<100000x64xf32, #tpu.memory_space<hbm>>
      tpu.wait_indirect_dma semaphore(%arg25 : memref<!tpu.dma_semaphore, #tpu.memory_space<semaphore_mem>>) src(%dma_wait3A_748 : memref<100000x64xf32, #tpu.memory_space<hbm>>) dst(%dma_wait3A_740 : memref<96x64xf32, #tpu.memory_space<vmem>>)
      %add3A_749 = arith.constant 1 : i32
      %add3A_750 = arith.addi %mul3A_59, %add3A_749 : i32
      %mul3A_751 = arith.constant 1 : i32
      %mul3A_752 = arith.muli %add3A_750, %mul3A_751 : i32
      %add3A_753 = arith.addi %mul3A_2, %mul3A_752 : i32
      %dma_start3A_754 = arith.constant 0 : i32
      %dma_start3A_755 = arith.constant 0 : i32
      %dma_start3A_756 = tpu.memref_slice %arg5[%add3A_753, %dma_start3A_754, %dma_start3A_755] : memref<4096x200x64xf32, #tpu.memory_space<hbm>> -> memref<1x200x64xf32, #tpu.memory_space<hbm>>
      %dma_start3A_757 = arith.constant 0 : i32
      %dma_start3A_758 = arith.constant 0 : i32
      %dma_start3A_759 = tpu.memref_slice %arg5[%add3A_753, %dma_start3A_757, %dma_start3A_758] : memref<4096x200x64xf32, #tpu.memory_space<hbm>> -> memref<1x200x64xf32, #tpu.memory_space<hbm>>
      tpu.enqueue_dma source(%arg9 : memref<1x200x64xf32, #tpu.memory_space<vmem>>) target(%dma_start3A_759 : memref<1x200x64xf32, #tpu.memory_space<hbm>>) target_semaphore(%arg33 : memref<!tpu.dma_semaphore, #tpu.memory_space<semaphore_mem>>)
      %dma_wait3A_760 = arith.constant 0 : i32
      %dma_wait3A_761 = arith.constant 0 : i32
      %dma_wait3A_762 = arith.constant 0 : i32
      %dma_wait3A_763 = tpu.memref_slice %arg10[%dma_wait3A_760, %dma_wait3A_761, %dma_wait3A_762] : memref<1x200x64xf32, #tpu.memory_space<vmem>> -> memref<1x200x64xf32, #tpu.memory_space<vmem>>
      %dma_wait3A_764 = tpu.memref_squeeze %dma_wait3A_763 : memref<1x200x64xf32, #tpu.memory_space<vmem>> -> memref<200x64xf32, #tpu.memory_space<vmem>>
      %dma_wait3A_765 = arith.constant 0 : i32
      %dma_wait3A_766 = arith.constant 0 : i32
      %dma_wait3A_767 = tpu.memref_slice %dma_wait3A_764[%dma_wait3A_765, %dma_wait3A_766] : memref<200x64xf32, #tpu.memory_space<vmem>> -> memref<104x64xf32, #tpu.memory_space<vmem>>
      %dma_wait3A_768 = arith.constant 0 : i32
      %dma_wait3A_769 = tpu.memref_slice %arg6[%add3A_352, %dma_wait3A_768] : memref<128x200xi32, #tpu.memory_space<vmem>> -> memref<1x200xi32, #tpu.memory_space<vmem>>
      %dma_wait3A_770 = tpu.memref_squeeze %dma_wait3A_769 : memref<1x200xi32, #tpu.memory_space<vmem>> -> memref<200xi32, #tpu.memory_space<vmem>>
      %dma_wait3A_771 = arith.constant 0 : i32
      %dma_wait3A_772 = tpu.memref_slice %dma_wait3A_770[%dma_wait3A_771] : memref<200xi32, #tpu.memory_space<vmem>> -> memref<104xi32, #tpu.memory_space<vmem>>
      %dma_wait3A_773 = arith.constant 0 : i32
      %dma_wait3A_774 = arith.constant 0 : i32
      %dma_wait3A_775 = tpu.memref_slice %arg3[%dma_wait3A_773, %dma_wait3A_774] : memref<100000x64xf32, #tpu.memory_space<hbm>> -> memref<100000x64xf32, #tpu.memory_space<hbm>>
      tpu.wait_indirect_dma semaphore(%arg26 : memref<!tpu.dma_semaphore, #tpu.memory_space<semaphore_mem>>) src(%dma_wait3A_775 : memref<100000x64xf32, #tpu.memory_space<hbm>>) dst(%dma_wait3A_767 : memref<104x64xf32, #tpu.memory_space<vmem>>)
      %dma_wait3A_776 = arith.constant 0 : i32
      %dma_wait3A_777 = arith.constant 0 : i32
      %dma_wait3A_778 = arith.constant 0 : i32
      %dma_wait3A_779 = tpu.memref_slice %arg10[%dma_wait3A_776, %dma_wait3A_777, %dma_wait3A_778] : memref<1x200x64xf32, #tpu.memory_space<vmem>> -> memref<1x200x64xf32, #tpu.memory_space<vmem>>
      %dma_wait3A_780 = tpu.memref_squeeze %dma_wait3A_779 : memref<1x200x64xf32, #tpu.memory_space<vmem>> -> memref<200x64xf32, #tpu.memory_space<vmem>>
      %dma_wait3A_781 = arith.constant 104 : i32
      %dma_wait3A_782 = arith.constant 0 : i32
      %dma_wait3A_783 = tpu.memref_slice %dma_wait3A_780[%dma_wait3A_781, %dma_wait3A_782] : memref<200x64xf32, #tpu.memory_space<vmem>> -> memref<96x64xf32, #tpu.memory_space<vmem>>
      %dma_wait3A_784 = arith.constant 0 : i32
      %dma_wait3A_785 = tpu.memref_slice %arg6[%add3A_372, %dma_wait3A_784] : memref<128x200xi32, #tpu.memory_space<vmem>> -> memref<1x200xi32, #tpu.memory_space<vmem>>
      %dma_wait3A_786 = tpu.memref_squeeze %dma_wait3A_785 : memref<1x200xi32, #tpu.memory_space<vmem>> -> memref<200xi32, #tpu.memory_space<vmem>>
      %dma_wait3A_787 = arith.constant 104 : i32
      %dma_wait3A_788 = tpu.memref_slice %dma_wait3A_786[%dma_wait3A_787] : memref<200xi32, #tpu.memory_space<vmem>> -> memref<96xi32, #tpu.memory_space<vmem>>
      %dma_wait3A_789 = arith.constant 0 : i32
      %dma_wait3A_790 = arith.constant 0 : i32
      %dma_wait3A_791 = tpu.memref_slice %arg3[%dma_wait3A_789, %dma_wait3A_790] : memref<100000x64xf32, #tpu.memory_space<hbm>> -> memref<100000x64xf32, #tpu.memory_space<hbm>>
      tpu.wait_indirect_dma semaphore(%arg26 : memref<!tpu.dma_semaphore, #tpu.memory_space<semaphore_mem>>) src(%dma_wait3A_791 : memref<100000x64xf32, #tpu.memory_space<hbm>>) dst(%dma_wait3A_783 : memref<96x64xf32, #tpu.memory_space<vmem>>)
      %add3A_792 = arith.constant 2 : i32
      %add3A_793 = arith.addi %mul3A_59, %add3A_792 : i32
      %mul3A_794 = arith.constant 1 : i32
      %mul3A_795 = arith.muli %add3A_793, %mul3A_794 : i32
      %add3A_796 = arith.addi %mul3A_2, %mul3A_795 : i32
      %dma_start3A_797 = arith.constant 0 : i32
      %dma_start3A_798 = arith.constant 0 : i32
      %dma_start3A_799 = tpu.memref_slice %arg5[%add3A_796, %dma_start3A_797, %dma_start3A_798] : memref<4096x200x64xf32, #tpu.memory_space<hbm>> -> memref<1x200x64xf32, #tpu.memory_space<hbm>>
      %dma_start3A_800 = arith.constant 0 : i32
      %dma_start3A_801 = arith.constant 0 : i32
      %dma_start3A_802 = tpu.memref_slice %arg5[%add3A_796, %dma_start3A_800, %dma_start3A_801] : memref<4096x200x64xf32, #tpu.memory_space<hbm>> -> memref<1x200x64xf32, #tpu.memory_space<hbm>>
      tpu.enqueue_dma source(%arg10 : memref<1x200x64xf32, #tpu.memory_space<vmem>>) target(%dma_start3A_802 : memref<1x200x64xf32, #tpu.memory_space<hbm>>) target_semaphore(%arg34 : memref<!tpu.dma_semaphore, #tpu.memory_space<semaphore_mem>>)
      %dma_wait3A_803 = arith.constant 0 : i32
      %dma_wait3A_804 = arith.constant 0 : i32
      %dma_wait3A_805 = arith.constant 0 : i32
      %dma_wait3A_806 = tpu.memref_slice %arg11[%dma_wait3A_803, %dma_wait3A_804, %dma_wait3A_805] : memref<1x200x64xf32, #tpu.memory_space<vmem>> -> memref<1x200x64xf32, #tpu.memory_space<vmem>>
      %dma_wait3A_807 = tpu.memref_squeeze %dma_wait3A_806 : memref<1x200x64xf32, #tpu.memory_space<vmem>> -> memref<200x64xf32, #tpu.memory_space<vmem>>
      %dma_wait3A_808 = arith.constant 0 : i32
      %dma_wait3A_809 = arith.constant 0 : i32
      %dma_wait3A_810 = tpu.memref_slice %dma_wait3A_807[%dma_wait3A_808, %dma_wait3A_809] : memref<200x64xf32, #tpu.memory_space<vmem>> -> memref<104x64xf32, #tpu.memory_space<vmem>>
      %dma_wait3A_811 = arith.constant 0 : i32
      %dma_wait3A_812 = tpu.memref_slice %arg6[%add3A_409, %dma_wait3A_811] : memref<128x200xi32, #tpu.memory_space<vmem>> -> memref<1x200xi32, #tpu.memory_space<vmem>>
      %dma_wait3A_813 = tpu.memref_squeeze %dma_wait3A_812 : memref<1x200xi32, #tpu.memory_space<vmem>> -> memref<200xi32, #tpu.memory_space<vmem>>
      %dma_wait3A_814 = arith.constant 0 : i32
      %dma_wait3A_815 = tpu.memref_slice %dma_wait3A_813[%dma_wait3A_814] : memref<200xi32, #tpu.memory_space<vmem>> -> memref<104xi32, #tpu.memory_space<vmem>>
      %dma_wait3A_816 = arith.constant 0 : i32
      %dma_wait3A_817 = arith.constant 0 : i32
      %dma_wait3A_818 = tpu.memref_slice %arg3[%dma_wait3A_816, %dma_wait3A_817] : memref<100000x64xf32, #tpu.memory_space<hbm>> -> memref<100000x64xf32, #tpu.memory_space<hbm>>
      tpu.wait_indirect_dma semaphore(%arg27 : memref<!tpu.dma_semaphore, #tpu.memory_space<semaphore_mem>>) src(%dma_wait3A_818 : memref<100000x64xf32, #tpu.memory_space<hbm>>) dst(%dma_wait3A_810 : memref<104x64xf32, #tpu.memory_space<vmem>>)
      %dma_wait3A_819 = arith.constant 0 : i32
      %dma_wait3A_820 = arith.constant 0 : i32
      %dma_wait3A_821 = arith.constant 0 : i32
      %dma_wait3A_822 = tpu.memref_slice %arg11[%dma_wait3A_819, %dma_wait3A_820, %dma_wait3A_821] : memref<1x200x64xf32, #tpu.memory_space<vmem>> -> memref<1x200x64xf32, #tpu.memory_space<vmem>>
      %dma_wait3A_823 = tpu.memref_squeeze %dma_wait3A_822 : memref<1x200x64xf32, #tpu.memory_space<vmem>> -> memref<200x64xf32, #tpu.memory_space<vmem>>
      %dma_wait3A_824 = arith.constant 104 : i32
      %dma_wait3A_825 = arith.constant 0 : i32
      %dma_wait3A_826 = tpu.memref_slice %dma_wait3A_823[%dma_wait3A_824, %dma_wait3A_825] : memref<200x64xf32, #tpu.memory_space<vmem>> -> memref<96x64xf32, #tpu.memory_space<vmem>>
      %dma_wait3A_827 = arith.constant 0 : i32
      %dma_wait3A_828 = tpu.memref_slice %arg6[%add3A_429, %dma_wait3A_827] : memref<128x200xi32, #tpu.memory_space<vmem>> -> memref<1x200xi32, #tpu.memory_space<vmem>>
      %dma_wait3A_829 = tpu.memref_squeeze %dma_wait3A_828 : memref<1x200xi32, #tpu.memory_space<vmem>> -> memref<200xi32, #tpu.memory_space<vmem>>
      %dma_wait3A_830 = arith.constant 104 : i32
      %dma_wait3A_831 = tpu.memref_slice %dma_wait3A_829[%dma_wait3A_830] : memref<200xi32, #tpu.memory_space<vmem>> -> memref<96xi32, #tpu.memory_space<vmem>>
      %dma_wait3A_832 = arith.constant 0 : i32
      %dma_wait3A_833 = arith.constant 0 : i32
      %dma_wait3A_834 = tpu.memref_slice %arg3[%dma_wait3A_832, %dma_wait3A_833] : memref<100000x64xf32, #tpu.memory_space<hbm>> -> memref<100000x64xf32, #tpu.memory_space<hbm>>
      tpu.wait_indirect_dma semaphore(%arg27 : memref<!tpu.dma_semaphore, #tpu.memory_space<semaphore_mem>>) src(%dma_wait3A_834 : memref<100000x64xf32, #tpu.memory_space<hbm>>) dst(%dma_wait3A_826 : memref<96x64xf32, #tpu.memory_space<vmem>>)
      %add3A_835 = arith.constant 3 : i32
      %add3A_836 = arith.addi %mul3A_59, %add3A_835 : i32
      %mul3A_837 = arith.constant 1 : i32
      %mul3A_838 = arith.muli %add3A_836, %mul3A_837 : i32
      %add3A_839 = arith.addi %mul3A_2, %mul3A_838 : i32
      %dma_start3A_840 = arith.constant 0 : i32
      %dma_start3A_841 = arith.constant 0 : i32
      %dma_start3A_842 = tpu.memref_slice %arg5[%add3A_839, %dma_start3A_840, %dma_start3A_841] : memref<4096x200x64xf32, #tpu.memory_space<hbm>> -> memref<1x200x64xf32, #tpu.memory_space<hbm>>
      %dma_start3A_843 = arith.constant 0 : i32
      %dma_start3A_844 = arith.constant 0 : i32
      %dma_start3A_845 = tpu.memref_slice %arg5[%add3A_839, %dma_start3A_843, %dma_start3A_844] : memref<4096x200x64xf32, #tpu.memory_space<hbm>> -> memref<1x200x64xf32, #tpu.memory_space<hbm>>
      tpu.enqueue_dma source(%arg11 : memref<1x200x64xf32, #tpu.memory_space<vmem>>) target(%dma_start3A_845 : memref<1x200x64xf32, #tpu.memory_space<hbm>>) target_semaphore(%arg35 : memref<!tpu.dma_semaphore, #tpu.memory_space<semaphore_mem>>)
      %dma_wait3A_846 = arith.constant 0 : i32
      %dma_wait3A_847 = arith.constant 0 : i32
      %dma_wait3A_848 = arith.constant 0 : i32
      %dma_wait3A_849 = tpu.memref_slice %arg12[%dma_wait3A_846, %dma_wait3A_847, %dma_wait3A_848] : memref<1x200x64xf32, #tpu.memory_space<vmem>> -> memref<1x200x64xf32, #tpu.memory_space<vmem>>
      %dma_wait3A_850 = tpu.memref_squeeze %dma_wait3A_849 : memref<1x200x64xf32, #tpu.memory_space<vmem>> -> memref<200x64xf32, #tpu.memory_space<vmem>>
      %dma_wait3A_851 = arith.constant 0 : i32
      %dma_wait3A_852 = arith.constant 0 : i32
      %dma_wait3A_853 = tpu.memref_slice %dma_wait3A_850[%dma_wait3A_851, %dma_wait3A_852] : memref<200x64xf32, #tpu.memory_space<vmem>> -> memref<104x64xf32, #tpu.memory_space<vmem>>
      %dma_wait3A_854 = arith.constant 0 : i32
      %dma_wait3A_855 = tpu.memref_slice %arg6[%add3A_466, %dma_wait3A_854] : memref<128x200xi32, #tpu.memory_space<vmem>> -> memref<1x200xi32, #tpu.memory_space<vmem>>
      %dma_wait3A_856 = tpu.memref_squeeze %dma_wait3A_855 : memref<1x200xi32, #tpu.memory_space<vmem>> -> memref<200xi32, #tpu.memory_space<vmem>>
      %dma_wait3A_857 = arith.constant 0 : i32
      %dma_wait3A_858 = tpu.memref_slice %dma_wait3A_856[%dma_wait3A_857] : memref<200xi32, #tpu.memory_space<vmem>> -> memref<104xi32, #tpu.memory_space<vmem>>
      %dma_wait3A_859 = arith.constant 0 : i32
      %dma_wait3A_860 = arith.constant 0 : i32
      %dma_wait3A_861 = tpu.memref_slice %arg3[%dma_wait3A_859, %dma_wait3A_860] : memref<100000x64xf32, #tpu.memory_space<hbm>> -> memref<100000x64xf32, #tpu.memory_space<hbm>>
      tpu.wait_indirect_dma semaphore(%arg28 : memref<!tpu.dma_semaphore, #tpu.memory_space<semaphore_mem>>) src(%dma_wait3A_861 : memref<100000x64xf32, #tpu.memory_space<hbm>>) dst(%dma_wait3A_853 : memref<104x64xf32, #tpu.memory_space<vmem>>)
      %dma_wait3A_862 = arith.constant 0 : i32
      %dma_wait3A_863 = arith.constant 0 : i32
      %dma_wait3A_864 = arith.constant 0 : i32
      %dma_wait3A_865 = tpu.memref_slice %arg12[%dma_wait3A_862, %dma_wait3A_863, %dma_wait3A_864] : memref<1x200x64xf32, #tpu.memory_space<vmem>> -> memref<1x200x64xf32, #tpu.memory_space<vmem>>
      %dma_wait3A_866 = tpu.memref_squeeze %dma_wait3A_865 : memref<1x200x64xf32, #tpu.memory_space<vmem>> -> memref<200x64xf32, #tpu.memory_space<vmem>>
      %dma_wait3A_867 = arith.constant 104 : i32
      %dma_wait3A_868 = arith.constant 0 : i32
      %dma_wait3A_869 = tpu.memref_slice %dma_wait3A_866[%dma_wait3A_867, %dma_wait3A_868] : memref<200x64xf32, #tpu.memory_space<vmem>> -> memref<96x64xf32, #tpu.memory_space<vmem>>
      %dma_wait3A_870 = arith.constant 0 : i32
      %dma_wait3A_871 = tpu.memref_slice %arg6[%add3A_486, %dma_wait3A_870] : memref<128x200xi32, #tpu.memory_space<vmem>> -> memref<1x200xi32, #tpu.memory_space<vmem>>
      %dma_wait3A_872 = tpu.memref_squeeze %dma_wait3A_871 : memref<1x200xi32, #tpu.memory_space<vmem>> -> memref<200xi32, #tpu.memory_space<vmem>>
      %dma_wait3A_873 = arith.constant 104 : i32
      %dma_wait3A_874 = tpu.memref_slice %dma_wait3A_872[%dma_wait3A_873] : memref<200xi32, #tpu.memory_space<vmem>> -> memref<96xi32, #tpu.memory_space<vmem>>
      %dma_wait3A_875 = arith.constant 0 : i32
      %dma_wait3A_876 = arith.constant 0 : i32
      %dma_wait3A_877 = tpu.memref_slice %arg3[%dma_wait3A_875, %dma_wait3A_876] : memref<100000x64xf32, #tpu.memory_space<hbm>> -> memref<100000x64xf32, #tpu.memory_space<hbm>>
      tpu.wait_indirect_dma semaphore(%arg28 : memref<!tpu.dma_semaphore, #tpu.memory_space<semaphore_mem>>) src(%dma_wait3A_877 : memref<100000x64xf32, #tpu.memory_space<hbm>>) dst(%dma_wait3A_869 : memref<96x64xf32, #tpu.memory_space<vmem>>)
      %add3A_878 = arith.constant 4 : i32
      %add3A_879 = arith.addi %mul3A_59, %add3A_878 : i32
      %mul3A_880 = arith.constant 1 : i32
      %mul3A_881 = arith.muli %add3A_879, %mul3A_880 : i32
      %add3A_882 = arith.addi %mul3A_2, %mul3A_881 : i32
      %dma_start3A_883 = arith.constant 0 : i32
      %dma_start3A_884 = arith.constant 0 : i32
      %dma_start3A_885 = tpu.memref_slice %arg5[%add3A_882, %dma_start3A_883, %dma_start3A_884] : memref<4096x200x64xf32, #tpu.memory_space<hbm>> -> memref<1x200x64xf32, #tpu.memory_space<hbm>>
      %dma_start3A_886 = arith.constant 0 : i32
      %dma_start3A_887 = arith.constant 0 : i32
      %dma_start3A_888 = tpu.memref_slice %arg5[%add3A_882, %dma_start3A_886, %dma_start3A_887] : memref<4096x200x64xf32, #tpu.memory_space<hbm>> -> memref<1x200x64xf32, #tpu.memory_space<hbm>>
      tpu.enqueue_dma source(%arg12 : memref<1x200x64xf32, #tpu.memory_space<vmem>>) target(%dma_start3A_888 : memref<1x200x64xf32, #tpu.memory_space<hbm>>) target_semaphore(%arg36 : memref<!tpu.dma_semaphore, #tpu.memory_space<semaphore_mem>>)
      %dma_wait3A_889 = arith.constant 0 : i32
      %dma_wait3A_890 = arith.constant 0 : i32
      %dma_wait3A_891 = arith.constant 0 : i32
      %dma_wait3A_892 = tpu.memref_slice %arg13[%dma_wait3A_889, %dma_wait3A_890, %dma_wait3A_891] : memref<1x200x64xf32, #tpu.memory_space<vmem>> -> memref<1x200x64xf32, #tpu.memory_space<vmem>>
      %dma_wait3A_893 = tpu.memref_squeeze %dma_wait3A_892 : memref<1x200x64xf32, #tpu.memory_space<vmem>> -> memref<200x64xf32, #tpu.memory_space<vmem>>
      %dma_wait3A_894 = arith.constant 0 : i32
      %dma_wait3A_895 = arith.constant 0 : i32
      %dma_wait3A_896 = tpu.memref_slice %dma_wait3A_893[%dma_wait3A_894, %dma_wait3A_895] : memref<200x64xf32, #tpu.memory_space<vmem>> -> memref<104x64xf32, #tpu.memory_space<vmem>>
      %dma_wait3A_897 = arith.constant 0 : i32
      %dma_wait3A_898 = tpu.memref_slice %arg6[%add3A_523, %dma_wait3A_897] : memref<128x200xi32, #tpu.memory_space<vmem>> -> memref<1x200xi32, #tpu.memory_space<vmem>>
      %dma_wait3A_899 = tpu.memref_squeeze %dma_wait3A_898 : memref<1x200xi32, #tpu.memory_space<vmem>> -> memref<200xi32, #tpu.memory_space<vmem>>
      %dma_wait3A_900 = arith.constant 0 : i32
      %dma_wait3A_901 = tpu.memref_slice %dma_wait3A_899[%dma_wait3A_900] : memref<200xi32, #tpu.memory_space<vmem>> -> memref<104xi32, #tpu.memory_space<vmem>>
      %dma_wait3A_902 = arith.constant 0 : i32
      %dma_wait3A_903 = arith.constant 0 : i32
      %dma_wait3A_904 = tpu.memref_slice %arg3[%dma_wait3A_902, %dma_wait3A_903] : memref<100000x64xf32, #tpu.memory_space<hbm>> -> memref<100000x64xf32, #tpu.memory_space<hbm>>
      tpu.wait_indirect_dma semaphore(%arg29 : memref<!tpu.dma_semaphore, #tpu.memory_space<semaphore_mem>>) src(%dma_wait3A_904 : memref<100000x64xf32, #tpu.memory_space<hbm>>) dst(%dma_wait3A_896 : memref<104x64xf32, #tpu.memory_space<vmem>>)
      %dma_wait3A_905 = arith.constant 0 : i32
      %dma_wait3A_906 = arith.constant 0 : i32
      %dma_wait3A_907 = arith.constant 0 : i32
      %dma_wait3A_908 = tpu.memref_slice %arg13[%dma_wait3A_905, %dma_wait3A_906, %dma_wait3A_907] : memref<1x200x64xf32, #tpu.memory_space<vmem>> -> memref<1x200x64xf32, #tpu.memory_space<vmem>>
      %dma_wait3A_909 = tpu.memref_squeeze %dma_wait3A_908 : memref<1x200x64xf32, #tpu.memory_space<vmem>> -> memref<200x64xf32, #tpu.memory_space<vmem>>
      %dma_wait3A_910 = arith.constant 104 : i32
      %dma_wait3A_911 = arith.constant 0 : i32
      %dma_wait3A_912 = tpu.memref_slice %dma_wait3A_909[%dma_wait3A_910, %dma_wait3A_911] : memref<200x64xf32, #tpu.memory_space<vmem>> -> memref<96x64xf32, #tpu.memory_space<vmem>>
      %dma_wait3A_913 = arith.constant 0 : i32
      %dma_wait3A_914 = tpu.memref_slice %arg6[%add3A_543, %dma_wait3A_913] : memref<128x200xi32, #tpu.memory_space<vmem>> -> memref<1x200xi32, #tpu.memory_space<vmem>>
      %dma_wait3A_915 = tpu.memref_squeeze %dma_wait3A_914 : memref<1x200xi32, #tpu.memory_space<vmem>> -> memref<200xi32, #tpu.memory_space<vmem>>
      %dma_wait3A_916 = arith.constant 104 : i32
      %dma_wait3A_917 = tpu.memref_slice %dma_wait3A_915[%dma_wait3A_916] : memref<200xi32, #tpu.memory_space<vmem>> -> memref<96xi32, #tpu.memory_space<vmem>>
      %dma_wait3A_918 = arith.constant 0 : i32
      %dma_wait3A_919 = arith.constant 0 : i32
      %dma_wait3A_920 = tpu.memref_slice %arg3[%dma_wait3A_918, %dma_wait3A_919] : memref<100000x64xf32, #tpu.memory_space<hbm>> -> memref<100000x64xf32, #tpu.memory_space<hbm>>
      tpu.wait_indirect_dma semaphore(%arg29 : memref<!tpu.dma_semaphore, #tpu.memory_space<semaphore_mem>>) src(%dma_wait3A_920 : memref<100000x64xf32, #tpu.memory_space<hbm>>) dst(%dma_wait3A_912 : memref<96x64xf32, #tpu.memory_space<vmem>>)
      %add3A_921 = arith.constant 5 : i32
      %add3A_922 = arith.addi %mul3A_59, %add3A_921 : i32
      %mul3A_923 = arith.constant 1 : i32
      %mul3A_924 = arith.muli %add3A_922, %mul3A_923 : i32
      %add3A_925 = arith.addi %mul3A_2, %mul3A_924 : i32
      %dma_start3A_926 = arith.constant 0 : i32
      %dma_start3A_927 = arith.constant 0 : i32
      %dma_start3A_928 = tpu.memref_slice %arg5[%add3A_925, %dma_start3A_926, %dma_start3A_927] : memref<4096x200x64xf32, #tpu.memory_space<hbm>> -> memref<1x200x64xf32, #tpu.memory_space<hbm>>
      %dma_start3A_929 = arith.constant 0 : i32
      %dma_start3A_930 = arith.constant 0 : i32
      %dma_start3A_931 = tpu.memref_slice %arg5[%add3A_925, %dma_start3A_929, %dma_start3A_930] : memref<4096x200x64xf32, #tpu.memory_space<hbm>> -> memref<1x200x64xf32, #tpu.memory_space<hbm>>
      tpu.enqueue_dma source(%arg13 : memref<1x200x64xf32, #tpu.memory_space<vmem>>) target(%dma_start3A_931 : memref<1x200x64xf32, #tpu.memory_space<hbm>>) target_semaphore(%arg37 : memref<!tpu.dma_semaphore, #tpu.memory_space<semaphore_mem>>)
      %dma_wait3A_932 = arith.constant 0 : i32
      %dma_wait3A_933 = arith.constant 0 : i32
      %dma_wait3A_934 = arith.constant 0 : i32
      %dma_wait3A_935 = tpu.memref_slice %arg14[%dma_wait3A_932, %dma_wait3A_933, %dma_wait3A_934] : memref<1x200x64xf32, #tpu.memory_space<vmem>> -> memref<1x200x64xf32, #tpu.memory_space<vmem>>
      %dma_wait3A_936 = tpu.memref_squeeze %dma_wait3A_935 : memref<1x200x64xf32, #tpu.memory_space<vmem>> -> memref<200x64xf32, #tpu.memory_space<vmem>>
      %dma_wait3A_937 = arith.constant 0 : i32
      %dma_wait3A_938 = arith.constant 0 : i32
      %dma_wait3A_939 = tpu.memref_slice %dma_wait3A_936[%dma_wait3A_937, %dma_wait3A_938] : memref<200x64xf32, #tpu.memory_space<vmem>> -> memref<104x64xf32, #tpu.memory_space<vmem>>
      %dma_wait3A_940 = arith.constant 0 : i32
      %dma_wait3A_941 = tpu.memref_slice %arg6[%add3A_580, %dma_wait3A_940] : memref<128x200xi32, #tpu.memory_space<vmem>> -> memref<1x200xi32, #tpu.memory_space<vmem>>
      %dma_wait3A_942 = tpu.memref_squeeze %dma_wait3A_941 : memref<1x200xi32, #tpu.memory_space<vmem>> -> memref<200xi32, #tpu.memory_space<vmem>>
      %dma_wait3A_943 = arith.constant 0 : i32
      %dma_wait3A_944 = tpu.memref_slice %dma_wait3A_942[%dma_wait3A_943] : memref<200xi32, #tpu.memory_space<vmem>> -> memref<104xi32, #tpu.memory_space<vmem>>
      %dma_wait3A_945 = arith.constant 0 : i32
      %dma_wait3A_946 = arith.constant 0 : i32
      %dma_wait3A_947 = tpu.memref_slice %arg3[%dma_wait3A_945, %dma_wait3A_946] : memref<100000x64xf32, #tpu.memory_space<hbm>> -> memref<100000x64xf32, #tpu.memory_space<hbm>>
      tpu.wait_indirect_dma semaphore(%arg30 : memref<!tpu.dma_semaphore, #tpu.memory_space<semaphore_mem>>) src(%dma_wait3A_947 : memref<100000x64xf32, #tpu.memory_space<hbm>>) dst(%dma_wait3A_939 : memref<104x64xf32, #tpu.memory_space<vmem>>)
      %dma_wait3A_948 = arith.constant 0 : i32
      %dma_wait3A_949 = arith.constant 0 : i32
      %dma_wait3A_950 = arith.constant 0 : i32
      %dma_wait3A_951 = tpu.memref_slice %arg14[%dma_wait3A_948, %dma_wait3A_949, %dma_wait3A_950] : memref<1x200x64xf32, #tpu.memory_space<vmem>> -> memref<1x200x64xf32, #tpu.memory_space<vmem>>
      %dma_wait3A_952 = tpu.memref_squeeze %dma_wait3A_951 : memref<1x200x64xf32, #tpu.memory_space<vmem>> -> memref<200x64xf32, #tpu.memory_space<vmem>>
      %dma_wait3A_953 = arith.constant 104 : i32
      %dma_wait3A_954 = arith.constant 0 : i32
      %dma_wait3A_955 = tpu.memref_slice %dma_wait3A_952[%dma_wait3A_953, %dma_wait3A_954] : memref<200x64xf32, #tpu.memory_space<vmem>> -> memref<96x64xf32, #tpu.memory_space<vmem>>
      %dma_wait3A_956 = arith.constant 0 : i32
      %dma_wait3A_957 = tpu.memref_slice %arg6[%add3A_600, %dma_wait3A_956] : memref<128x200xi32, #tpu.memory_space<vmem>> -> memref<1x200xi32, #tpu.memory_space<vmem>>
      %dma_wait3A_958 = tpu.memref_squeeze %dma_wait3A_957 : memref<1x200xi32, #tpu.memory_space<vmem>> -> memref<200xi32, #tpu.memory_space<vmem>>
      %dma_wait3A_959 = arith.constant 104 : i32
      %dma_wait3A_960 = tpu.memref_slice %dma_wait3A_958[%dma_wait3A_959] : memref<200xi32, #tpu.memory_space<vmem>> -> memref<96xi32, #tpu.memory_space<vmem>>
      %dma_wait3A_961 = arith.constant 0 : i32
      %dma_wait3A_962 = arith.constant 0 : i32
      %dma_wait3A_963 = tpu.memref_slice %arg3[%dma_wait3A_961, %dma_wait3A_962] : memref<100000x64xf32, #tpu.memory_space<hbm>> -> memref<100000x64xf32, #tpu.memory_space<hbm>>
      tpu.wait_indirect_dma semaphore(%arg30 : memref<!tpu.dma_semaphore, #tpu.memory_space<semaphore_mem>>) src(%dma_wait3A_963 : memref<100000x64xf32, #tpu.memory_space<hbm>>) dst(%dma_wait3A_955 : memref<96x64xf32, #tpu.memory_space<vmem>>)
      %add3A_964 = arith.constant 6 : i32
      %add3A_965 = arith.addi %mul3A_59, %add3A_964 : i32
      %mul3A_966 = arith.constant 1 : i32
      %mul3A_967 = arith.muli %add3A_965, %mul3A_966 : i32
      %add3A_968 = arith.addi %mul3A_2, %mul3A_967 : i32
      %dma_start3A_969 = arith.constant 0 : i32
      %dma_start3A_970 = arith.constant 0 : i32
      %dma_start3A_971 = tpu.memref_slice %arg5[%add3A_968, %dma_start3A_969, %dma_start3A_970] : memref<4096x200x64xf32, #tpu.memory_space<hbm>> -> memref<1x200x64xf32, #tpu.memory_space<hbm>>
      %dma_start3A_972 = arith.constant 0 : i32
      %dma_start3A_973 = arith.constant 0 : i32
      %dma_start3A_974 = tpu.memref_slice %arg5[%add3A_968, %dma_start3A_972, %dma_start3A_973] : memref<4096x200x64xf32, #tpu.memory_space<hbm>> -> memref<1x200x64xf32, #tpu.memory_space<hbm>>
      tpu.enqueue_dma source(%arg14 : memref<1x200x64xf32, #tpu.memory_space<vmem>>) target(%dma_start3A_974 : memref<1x200x64xf32, #tpu.memory_space<hbm>>) target_semaphore(%arg38 : memref<!tpu.dma_semaphore, #tpu.memory_space<semaphore_mem>>)
      %dma_wait3A_975 = arith.constant 0 : i32
      %dma_wait3A_976 = arith.constant 0 : i32
      %dma_wait3A_977 = arith.constant 0 : i32
      %dma_wait3A_978 = tpu.memref_slice %arg15[%dma_wait3A_975, %dma_wait3A_976, %dma_wait3A_977] : memref<1x200x64xf32, #tpu.memory_space<vmem>> -> memref<1x200x64xf32, #tpu.memory_space<vmem>>
      %dma_wait3A_979 = tpu.memref_squeeze %dma_wait3A_978 : memref<1x200x64xf32, #tpu.memory_space<vmem>> -> memref<200x64xf32, #tpu.memory_space<vmem>>
      %dma_wait3A_980 = arith.constant 0 : i32
      %dma_wait3A_981 = arith.constant 0 : i32
      %dma_wait3A_982 = tpu.memref_slice %dma_wait3A_979[%dma_wait3A_980, %dma_wait3A_981] : memref<200x64xf32, #tpu.memory_space<vmem>> -> memref<104x64xf32, #tpu.memory_space<vmem>>
      %dma_wait3A_983 = arith.constant 0 : i32
      %dma_wait3A_984 = tpu.memref_slice %arg6[%add3A_637, %dma_wait3A_983] : memref<128x200xi32, #tpu.memory_space<vmem>> -> memref<1x200xi32, #tpu.memory_space<vmem>>
      %dma_wait3A_985 = tpu.memref_squeeze %dma_wait3A_984 : memref<1x200xi32, #tpu.memory_space<vmem>> -> memref<200xi32, #tpu.memory_space<vmem>>
      %dma_wait3A_986 = arith.constant 0 : i32
      %dma_wait3A_987 = tpu.memref_slice %dma_wait3A_985[%dma_wait3A_986] : memref<200xi32, #tpu.memory_space<vmem>> -> memref<104xi32, #tpu.memory_space<vmem>>
      %dma_wait3A_988 = arith.constant 0 : i32
      %dma_wait3A_989 = arith.constant 0 : i32
      %dma_wait3A_990 = tpu.memref_slice %arg3[%dma_wait3A_988, %dma_wait3A_989] : memref<100000x64xf32, #tpu.memory_space<hbm>> -> memref<100000x64xf32, #tpu.memory_space<hbm>>
      tpu.wait_indirect_dma semaphore(%arg31 : memref<!tpu.dma_semaphore, #tpu.memory_space<semaphore_mem>>) src(%dma_wait3A_990 : memref<100000x64xf32, #tpu.memory_space<hbm>>) dst(%dma_wait3A_982 : memref<104x64xf32, #tpu.memory_space<vmem>>)
      %dma_wait3A_991 = arith.constant 0 : i32
      %dma_wait3A_992 = arith.constant 0 : i32
      %dma_wait3A_993 = arith.constant 0 : i32
      %dma_wait3A_994 = tpu.memref_slice %arg15[%dma_wait3A_991, %dma_wait3A_992, %dma_wait3A_993] : memref<1x200x64xf32, #tpu.memory_space<vmem>> -> memref<1x200x64xf32, #tpu.memory_space<vmem>>
      %dma_wait3A_995 = tpu.memref_squeeze %dma_wait3A_994 : memref<1x200x64xf32, #tpu.memory_space<vmem>> -> memref<200x64xf32, #tpu.memory_space<vmem>>
      %dma_wait3A_996 = arith.constant 104 : i32
      %dma_wait3A_997 = arith.constant 0 : i32
      %dma_wait3A_998 = tpu.memref_slice %dma_wait3A_995[%dma_wait3A_996, %dma_wait3A_997] : memref<200x64xf32, #tpu.memory_space<vmem>> -> memref<96x64xf32, #tpu.memory_space<vmem>>
      %dma_wait3A_999 = arith.constant 0 : i32
      %dma_wait3A_1000 = tpu.memref_slice %arg6[%add3A_657, %dma_wait3A_999] : memref<128x200xi32, #tpu.memory_space<vmem>> -> memref<1x200xi32, #tpu.memory_space<vmem>>
      %dma_wait3A_1001 = tpu.memref_squeeze %dma_wait3A_1000 : memref<1x200xi32, #tpu.memory_space<vmem>> -> memref<200xi32, #tpu.memory_space<vmem>>
      %dma_wait3A_1002 = arith.constant 104 : i32
      %dma_wait3A_1003 = tpu.memref_slice %dma_wait3A_1001[%dma_wait3A_1002] : memref<200xi32, #tpu.memory_space<vmem>> -> memref<96xi32, #tpu.memory_space<vmem>>
      %dma_wait3A_1004 = arith.constant 0 : i32
      %dma_wait3A_1005 = arith.constant 0 : i32
      %dma_wait3A_1006 = tpu.memref_slice %arg3[%dma_wait3A_1004, %dma_wait3A_1005] : memref<100000x64xf32, #tpu.memory_space<hbm>> -> memref<100000x64xf32, #tpu.memory_space<hbm>>
      tpu.wait_indirect_dma semaphore(%arg31 : memref<!tpu.dma_semaphore, #tpu.memory_space<semaphore_mem>>) src(%dma_wait3A_1006 : memref<100000x64xf32, #tpu.memory_space<hbm>>) dst(%dma_wait3A_998 : memref<96x64xf32, #tpu.memory_space<vmem>>)
      %add3A_1007 = arith.constant 7 : i32
      %add3A_1008 = arith.addi %mul3A_59, %add3A_1007 : i32
      %mul3A_1009 = arith.constant 1 : i32
      %mul3A_1010 = arith.muli %add3A_1008, %mul3A_1009 : i32
      %add3A_1011 = arith.addi %mul3A_2, %mul3A_1010 : i32
      %dma_start3A_1012 = arith.constant 0 : i32
      %dma_start3A_1013 = arith.constant 0 : i32
      %dma_start3A_1014 = tpu.memref_slice %arg5[%add3A_1011, %dma_start3A_1012, %dma_start3A_1013] : memref<4096x200x64xf32, #tpu.memory_space<hbm>> -> memref<1x200x64xf32, #tpu.memory_space<hbm>>
      %dma_start3A_1015 = arith.constant 0 : i32
      %dma_start3A_1016 = arith.constant 0 : i32
      %dma_start3A_1017 = tpu.memref_slice %arg5[%add3A_1011, %dma_start3A_1015, %dma_start3A_1016] : memref<4096x200x64xf32, #tpu.memory_space<hbm>> -> memref<1x200x64xf32, #tpu.memory_space<hbm>>
      tpu.enqueue_dma source(%arg15 : memref<1x200x64xf32, #tpu.memory_space<vmem>>) target(%dma_start3A_1017 : memref<1x200x64xf32, #tpu.memory_space<hbm>>) target_semaphore(%arg39 : memref<!tpu.dma_semaphore, #tpu.memory_space<semaphore_mem>>)
    }
    %scan3A_9 = arith.constant 16 : i32
    %dma_wait3A = arith.constant 0 : i32
    %dma_wait3A_10 = arith.constant 0 : i32
    %dma_wait3A_11 = tpu.memref_slice %arg5[%mul3A_2, %dma_wait3A, %dma_wait3A_10] : memref<4096x200x64xf32, #tpu.memory_space<hbm>> -> memref<1x200x64xf32, #tpu.memory_space<hbm>>
    %dma_wait3A_12 = arith.constant 0 : i32
    %dma_wait3A_13 = arith.constant 0 : i32
    %dma_wait3A_14 = tpu.memref_slice %arg5[%mul3A_2, %dma_wait3A_12, %dma_wait3A_13] : memref<4096x200x64xf32, #tpu.memory_space<hbm>> -> memref<1x200x64xf32, #tpu.memory_space<hbm>>
    tpu.wait_dma2 semaphore(%arg32 : memref<!tpu.dma_semaphore, #tpu.memory_space<semaphore_mem>>) src(%arg8 : memref<1x200x64xf32, #tpu.memory_space<vmem>>) dst(%dma_wait3A_14 : memref<1x200x64xf32, #tpu.memory_space<hbm>>)
    %dma_wait3A_15 = arith.constant 0 : i32
    %dma_wait3A_16 = arith.constant 0 : i32
    %dma_wait3A_17 = tpu.memref_slice %arg5[%mul3A_2, %dma_wait3A_15, %dma_wait3A_16] : memref<4096x200x64xf32, #tpu.memory_space<hbm>> -> memref<1x200x64xf32, #tpu.memory_space<hbm>>
    %dma_wait3A_18 = arith.constant 0 : i32
    %dma_wait3A_19 = arith.constant 0 : i32
    %dma_wait3A_20 = tpu.memref_slice %arg5[%mul3A_2, %dma_wait3A_18, %dma_wait3A_19] : memref<4096x200x64xf32, #tpu.memory_space<hbm>> -> memref<1x200x64xf32, #tpu.memory_space<hbm>>
    tpu.wait_dma2 semaphore(%arg33 : memref<!tpu.dma_semaphore, #tpu.memory_space<semaphore_mem>>) src(%arg9 : memref<1x200x64xf32, #tpu.memory_space<vmem>>) dst(%dma_wait3A_20 : memref<1x200x64xf32, #tpu.memory_space<hbm>>)
    %dma_wait3A_21 = arith.constant 0 : i32
    %dma_wait3A_22 = arith.constant 0 : i32
    %dma_wait3A_23 = tpu.memref_slice %arg5[%mul3A_2, %dma_wait3A_21, %dma_wait3A_22] : memref<4096x200x64xf32, #tpu.memory_space<hbm>> -> memref<1x200x64xf32, #tpu.memory_space<hbm>>
    %dma_wait3A_24 = arith.constant 0 : i32
    %dma_wait3A_25 = arith.constant 0 : i32
    %dma_wait3A_26 = tpu.memref_slice %arg5[%mul3A_2, %dma_wait3A_24, %dma_wait3A_25] : memref<4096x200x64xf32, #tpu.memory_space<hbm>> -> memref<1x200x64xf32, #tpu.memory_space<hbm>>
    tpu.wait_dma2 semaphore(%arg34 : memref<!tpu.dma_semaphore, #tpu.memory_space<semaphore_mem>>) src(%arg10 : memref<1x200x64xf32, #tpu.memory_space<vmem>>) dst(%dma_wait3A_26 : memref<1x200x64xf32, #tpu.memory_space<hbm>>)
    %dma_wait3A_27 = arith.constant 0 : i32
    %dma_wait3A_28 = arith.constant 0 : i32
    %dma_wait3A_29 = tpu.memref_slice %arg5[%mul3A_2, %dma_wait3A_27, %dma_wait3A_28] : memref<4096x200x64xf32, #tpu.memory_space<hbm>> -> memref<1x200x64xf32, #tpu.memory_space<hbm>>
    %dma_wait3A_30 = arith.constant 0 : i32
    %dma_wait3A_31 = arith.constant 0 : i32
    %dma_wait3A_32 = tpu.memref_slice %arg5[%mul3A_2, %dma_wait3A_30, %dma_wait3A_31] : memref<4096x200x64xf32, #tpu.memory_space<hbm>> -> memref<1x200x64xf32, #tpu.memory_space<hbm>>
    tpu.wait_dma2 semaphore(%arg35 : memref<!tpu.dma_semaphore, #tpu.memory_space<semaphore_mem>>) src(%arg11 : memref<1x200x64xf32, #tpu.memory_space<vmem>>) dst(%dma_wait3A_32 : memref<1x200x64xf32, #tpu.memory_space<hbm>>)
    %dma_wait3A_33 = arith.constant 0 : i32
    %dma_wait3A_34 = arith.constant 0 : i32
    %dma_wait3A_35 = tpu.memref_slice %arg5[%mul3A_2, %dma_wait3A_33, %dma_wait3A_34] : memref<4096x200x64xf32, #tpu.memory_space<hbm>> -> memref<1x200x64xf32, #tpu.memory_space<hbm>>
    %dma_wait3A_36 = arith.constant 0 : i32
    %dma_wait3A_37 = arith.constant 0 : i32
    %dma_wait3A_38 = tpu.memref_slice %arg5[%mul3A_2, %dma_wait3A_36, %dma_wait3A_37] : memref<4096x200x64xf32, #tpu.memory_space<hbm>> -> memref<1x200x64xf32, #tpu.memory_space<hbm>>
    tpu.wait_dma2 semaphore(%arg36 : memref<!tpu.dma_semaphore, #tpu.memory_space<semaphore_mem>>) src(%arg12 : memref<1x200x64xf32, #tpu.memory_space<vmem>>) dst(%dma_wait3A_38 : memref<1x200x64xf32, #tpu.memory_space<hbm>>)
    %dma_wait3A_39 = arith.constant 0 : i32
    %dma_wait3A_40 = arith.constant 0 : i32
    %dma_wait3A_41 = tpu.memref_slice %arg5[%mul3A_2, %dma_wait3A_39, %dma_wait3A_40] : memref<4096x200x64xf32, #tpu.memory_space<hbm>> -> memref<1x200x64xf32, #tpu.memory_space<hbm>>
    %dma_wait3A_42 = arith.constant 0 : i32
    %dma_wait3A_43 = arith.constant 0 : i32
    %dma_wait3A_44 = tpu.memref_slice %arg5[%mul3A_2, %dma_wait3A_42, %dma_wait3A_43] : memref<4096x200x64xf32, #tpu.memory_space<hbm>> -> memref<1x200x64xf32, #tpu.memory_space<hbm>>
    tpu.wait_dma2 semaphore(%arg37 : memref<!tpu.dma_semaphore, #tpu.memory_space<semaphore_mem>>) src(%arg13 : memref<1x200x64xf32, #tpu.memory_space<vmem>>) dst(%dma_wait3A_44 : memref<1x200x64xf32, #tpu.memory_space<hbm>>)
    %dma_wait3A_45 = arith.constant 0 : i32
    %dma_wait3A_46 = arith.constant 0 : i32
    %dma_wait3A_47 = tpu.memref_slice %arg5[%mul3A_2, %dma_wait3A_45, %dma_wait3A_46] : memref<4096x200x64xf32, #tpu.memory_space<hbm>> -> memref<1x200x64xf32, #tpu.memory_space<hbm>>
    %dma_wait3A_48 = arith.constant 0 : i32
    %dma_wait3A_49 = arith.constant 0 : i32
    %dma_wait3A_50 = tpu.memref_slice %arg5[%mul3A_2, %dma_wait3A_48, %dma_wait3A_49] : memref<4096x200x64xf32, #tpu.memory_space<hbm>> -> memref<1x200x64xf32, #tpu.memory_space<hbm>>
    tpu.wait_dma2 semaphore(%arg38 : memref<!tpu.dma_semaphore, #tpu.memory_space<semaphore_mem>>) src(%arg14 : memref<1x200x64xf32, #tpu.memory_space<vmem>>) dst(%dma_wait3A_50 : memref<1x200x64xf32, #tpu.memory_space<hbm>>)
    %dma_wait3A_51 = arith.constant 0 : i32
    %dma_wait3A_52 = arith.constant 0 : i32
    %dma_wait3A_53 = tpu.memref_slice %arg5[%mul3A_2, %dma_wait3A_51, %dma_wait3A_52] : memref<4096x200x64xf32, #tpu.memory_space<hbm>> -> memref<1x200x64xf32, #tpu.memory_space<hbm>>
    %dma_wait3A_54 = arith.constant 0 : i32
    %dma_wait3A_55 = arith.constant 0 : i32
    %dma_wait3A_56 = tpu.memref_slice %arg5[%mul3A_2, %dma_wait3A_54, %dma_wait3A_55] : memref<4096x200x64xf32, #tpu.memory_space<hbm>> -> memref<1x200x64xf32, #tpu.memory_space<hbm>>
    tpu.wait_dma2 semaphore(%arg39 : memref<!tpu.dma_semaphore, #tpu.memory_space<semaphore_mem>>) src(%arg15 : memref<1x200x64xf32, #tpu.memory_space<vmem>>) dst(%dma_wait3A_56 : memref<1x200x64xf32, #tpu.memory_space<hbm>>)
    return
  }
}

module attributes {stable_mosaic.version = 14 : i64} {
  func.func @_mask_body(%arg0: i32, %arg1: memref<512x200xi32, #tpu.memory_space<vmem>>, %arg2: memref<512x200xi32, #tpu.memory_space<vmem>>) attributes {dimension_semantics = [#tpu.dimension_semantics<arbitrary>], iteration_bounds = array<i64: 8>, scalar_prefetch = 0 : i64, scratch_operands = 0 : i64, tpu.core_type = #tpu.core_type<tc>, window_params = [{transform_indices = @transform_0, window_bounds = array<i64: 512, 200>}, {transform_indices = @transform_1, window_bounds = array<i64: 512, 200>}]} {
    %get3A = arith.constant 0 : index
    %get3A_0 = arith.constant 0 : index
    %get3A_1 = vector.load %arg1[%get3A, %get3A_0] : memref<512x200xi32, #tpu.memory_space<vmem>>, vector<512x200xi32>
    %ne3A = arith.constant 0 : i32
    %ne3A_2 = vector.broadcast %ne3A : i32 to vector<512x200xi32>
    %ne3A_3 = arith.cmpi ne, %get3A_1, %ne3A_2 : vector<512x200xi32>
    %swap3A = arith.constant 0 : index
    %swap3A_4 = arith.constant 0 : index
    %swap3A_5 = vector.load %arg2[%swap3A, %swap3A_4] : memref<512x200xi32, #tpu.memory_space<vmem>>, vector<512x200xi32>
    %swap3A_6 = arith.extui %ne3A_3 : vector<512x200xi1> to vector<512x200xi32>
    %swap3A_7 = arith.constant dense<0> : vector<512x200xi32>
    %swap3A_8 = arith.cmpi ne, %swap3A_5, %swap3A_7 : vector<512x200xi32>
    tpu.vector_store %arg2[%swap3A, %swap3A_4], %swap3A_6 {strides = array<i32>} : memref<512x200xi32, #tpu.memory_space<vmem>>, vector<512x200xi32>,
    return
  }
  func.func @transform_0(%arg0: i32) -> (i32, i32) {
    %c0_i32 = arith.constant 0 : i32
    %c0_i32_0 = arith.constant 0 : i32
    return %arg0, %c0_i32 : i32, i32
  }
  func.func @transform_1(%arg0: i32) -> (i32, i32) {
    %c0_i32 = arith.constant 0 : i32
    %c0_i32_0 = arith.constant 0 : i32
    return %arg0, %c0_i32 : i32, i32
  }
}

</mosaic_0001>

<sc_bundles>
// kernel: kernel.4.cloned.1.call-start
scs
__scs_entry_jumppad:
0x0: {  	(pc) =	sbr.rel $0x88, $3  }
0x1: {  	(tag) =	ssettag $0x0;
	lr =	simm.s32 $0x1  }
0x2: {  	[smem:$0x3F9E] =	sst lr;
	_ =	strace $0xD0000000  }
0x3: {  	_ = 	snop  }
0x4: {  	_ = 	snop  }
0x5: {  	_ = 	snop  }
0x6: {  	_ = 	snop  }
0x7: {  	_ = 	snop  }
__scs_overlays_trampoline_lowered:
0x8: {  	[smem:$0x3FAD] =	sst s0  }
0x9: {  	[smem:$0x3FAE] =	sst s1  }
0xa: {  	[smem:$0x3FAF] =	sst s2  }
0xb: {  	[smem:$0x3FB0] =	sst s3  }
0xc: {  	[smem:$0x3FB1] =	sst s4  }
0xd: {  	[smem:$0x3FB2] =	sst s5  }
0xe: {  	[smem:$0x3FB3] =	sst s6  }
0xf: {  	[smem:$0x3FB4] =	sst s7  }
0x10: {  	[smem:$0x3FB5] =	sst s8  }
0x11: {  	[smem:$0x3FB6] =	sst s9;
	s0 =	simm.s32 @!p0 $0x0  }
0x12: {  	s1 =	sld [smem:$0x3F9C];
	s0 =	simm.s32 @p0 $0x1  }
0x13: {  	[smem:$0x3FB7] =	sst s0;
	s0 =	simm.s32 @!p1 $0x0  }
0x14: {  	s2 =	sld [smem:$0x3F9B];
	s0 =	simm.s32 @p1 $0x1  }
0x15: {  	[smem:$0x3FB8] =	sst s0;
	s0 =	simm.s32 @!p2 $0x0  }
0x16: {  	s3 =	sld [smem:$0x3FDB];
	s0 =	simm.s32 @p2 $0x1  }
0x17: {  	s4 =	simm.s32 $0x1BF5;
	[smem:$0x3FBA] =	sst s0  }
0x18: {  	s0 =	sld [smem:$0x3F9D];
	_ =	swait.ge [sflag:s4], $0x0  }
0x19: {  	s7 =	sld [smem:$0x3F9E]  }
0x1a: {  	s8 =	sadd.s32 $0xFFFFE003, lr  }
0x1b: {  	s9 =	sadd.s32 $0xFFFFFEF7, lr;
	s5 =	simm.s32 $0xFFFFFFFF;
	p2 =	slt.u32 s8, $0xFFFFF086  }
0x1c: {  	p1 =	slt.u32 s9, $0xF7A;
	s5 =	simm.s32 @!p2 $0x0  }
0x1d: {  	s5 =	simm.s32 @p1 $0x1;
	p0 =	seq.s32 s7, s2  }
0x1e: {  	s7 =	smul.u32 @!p0 $0xF7A, s2;
	p2 =	seq.s32 @!p0 s5, $0x0  }
0x1f: {  	s9 =	smul.u32 $0xF7A, s1;
	s8 =	simm.s32 @!p0 $0x1BF5;
	p2 =	por !p2, p0  }
0x20: {  	[sflag:s8] =	ssyncset.s32 @!p0 $0xFFFFF086;
	s6 =	sadd.s32 @!p0 s3, s7;
	s7 =	simm.s32 @!p0 $0x108  }
0x21: {  	s3 =	sadd.s32 s3, s9;
	s6 =	sadd.s32 @!p0 $0x88, s6;
	s7 =	simm.s32 @p2 $0x1082  }
0x22: {  	[simem:s7], [sflag:s8] =	dma.local @!p0 [hbm:s6], $0xF7A  }
0x23: {  	s9 =	sor.u32 $0xD0000000, s2;
	s6 =	simm.s32 $0x108;
	_ =	swait.ge @!p0 [sflag:s8], $0x0  }
0x24: {  	s3 =	sadd.s32 $0x88, s3;
	s6 =	simm.s32 @!p1 $0x1082;
	[sflag:s4] =	ssyncset.s32 $0xFFFFF086  }
0x25: {  	[simem:s6], [sflag:s4] =	dma.local [hbm:s3], $0xF7A  }
0x26: {  	[smem:$0x3F9E] =	sst s1;
	(tag) =	ssettag s2;
	_ =	strace s9  }
0x27: {  	s1 =	sld [smem:$0x3FAE]  }
0x28: {  	s2 =	sld [smem:$0x3FAF]  }
0x29: {  	s4 =	sld [smem:$0x3FB1]  }
0x2a: {  	p0 =	seq.s32 s5, $0x0;
	s5 =	sld [smem:$0x3FB2]  }
0x2b: {  	s6 =	sld [smem:$0x3FB3]  }
0x2c: {  	s7 =	sld [smem:$0x3FB4]  }
0x2d: {  	s3 =	simm.s32 $0x108;
	s8 =	sld [smem:$0x3FB5]  }
0x2e: {  	s3 =	simm.s32 @!p0 $0x1082;
	s9 =	sld [smem:$0x3FB6]  }
0x2f: {  	lr =	sadd.s32 s0, s3;
	s0 =	sld [smem:$0x3FAD]  }
0x30: {  	s3 =	sld [smem:$0x3FB0]  }
0x31: {  	[smem:$0x3FB9] =	sst s10  }
0x32: {  	s10 =	sld [smem:$0x3FB7];
	_ =	sdelay $0x3  }
0x33: {  	p0 =	seq.s32 s10, $0x1;
	s10 =	sld [smem:$0x3FB9];
	_ =	sdelay $0x3  }
0x34: {  	[smem:$0x3FB9] =	sst s10  }
0x35: {  	s10 =	sld [smem:$0x3FB8];
	_ =	sdelay $0x3  }
0x36: {  	p1 =	seq.s32 s10, $0x1;
	s10 =	sld [smem:$0x3FB9];
	_ =	sdelay $0x3  }
0x37: {  	[smem:$0x3FB9] =	sst s10  }
0x38: {  	s10 =	sld [smem:$0x3FBA]  }
0x39: {  	_ = 	snop;
	(pc) =	sbr.ind lr, $3  }
0x3a: {  	_ = 	snop  }
0x3b: {  	_ = 	snop  }
0x3c: {  	p2 =	seq.s32 s10, $0x1;
	s10 =	sld [smem:$0x3FB9]  }
0x3d: {  	_ =	shalt  }
0x3e: {  	_ =	shalt  }
0x3f: {  	_ =	shalt  }
0x40: {  	_ =	shalt  }
0x41: {  	_ =	shalt  }
0x42: {  	_ =	shalt  }
0x43: {  	_ =	shalt  }
0x44: {  	_ =	shalt  }
0x45: {  	_ =	shalt  }
0x46: {  	_ =	shalt  }
0x47: {  	_ =	shalt  }
0x48: {  	_ =	shalt  }
0x49: {  	_ =	shalt  }
0x4a: {  	_ =	shalt  }
0x4b: {  	_ =	shalt  }
0x4c: {  	_ =	shalt  }
0x4d: {  	_ =	shalt  }
0x4e: {  	_ =	shalt  }
0x4f: {  	_ =	shalt  }
0x50: {  	_ =	shalt  }
0x51: {  	_ =	shalt  }
0x52: {  	_ =	shalt  }
0x53: {  	_ =	shalt  }
0x54: {  	_ =	shalt  }
0x55: {  	_ =	shalt  }
0x56: {  	_ =	shalt  }
0x57: {  	_ =	shalt  }
0x58: {  	_ =	shalt  }
0x59: {  	_ =	shalt  }
0x5a: {  	_ =	shalt  }
0x5b: {  	_ =	shalt  }
0x5c: {  	_ =	shalt  }
0x5d: {  	_ =	shalt  }
0x5e: {  	_ =	shalt  }
0x5f: {  	_ =	shalt  }
0x60: {  	_ =	shalt  }
0x61: {  	_ =	shalt  }
0x62: {  	_ =	shalt  }
0x63: {  	_ =	shalt  }
0x64: {  	_ =	shalt  }
0x65: {  	_ =	shalt  }
0x66: {  	_ =	shalt  }
0x67: {  	_ =	shalt  }
0x68: {  	_ =	shalt  }
0x69: {  	_ =	shalt  }
0x6a: {  	_ =	shalt  }
0x6b: {  	_ =	shalt  }
0x6c: {  	_ =	shalt  }
0x6d: {  	_ =	shalt  }
0x6e: {  	_ =	shalt  }
0x6f: {  	_ =	shalt  }
0x70: {  	_ =	shalt  }
0x71: {  	_ =	shalt  }
0x72: {  	_ =	shalt  }
0x73: {  	_ =	shalt  }
0x74: {  	_ =	shalt  }
0x75: {  	_ =	shalt  }
0x76: {  	_ =	shalt  }
0x77: {  	_ =	shalt  }
0x78: {  	_ =	shalt  }
0x79: {  	_ =	shalt  }
0x7a: {  	_ =	shalt  }
0x7b: {  	_ =	shalt  }
0x7c: {  	_ =	shalt  }
0x7d: {  	_ =	shalt  }
0x7e: {  	_ =	shalt  }
0x7f: {  	_ =	shalt  }
0x80: {  	_ =	shalt  }
0x81: {  	_ =	shalt  }
0x82: {  	_ =	shalt  }
0x83: {  	_ =	shalt  }
0x84: {  	_ =	shalt  }
0x85: {  	_ =	shalt  }
0x86: {  	_ =	shalt  }
0x87: {  	_ =	shalt  }
.Lfunc_end0:
.L_simem_size_0:
called_computation.1_lowered:
.L_overlay_start_0:
0x88: {  	s2 =	sld [smem:$0x3FD9]  }
0x89: {  	s3 =	sld [smem:$0x3FFE];
	_ =	sdelay $0x1  }
0x8a: {  	s1 =	srdreg.scid  }
0x8b: {  	s0 =	sand.u32 $0x1, s1  }
0x8c: {  	s14 =	sshll.u32 s0, $0xA;
	s2 =	sadd.s32 s3, s2  }
0x8d: {  	s2 =	sadd.s32 s2, s14  }
0x8e: {  	[smem:$0x3FC5] =	sst s2  }
0x8f: {  	_ = 	snop  }
0x90: {  	s2 =	sld [smem:$0x3FD0];
	_ =	sdelay $0x2  }
0x91: {  	s15 =	simm.s32 $0xA;
	s4 =	simm.s32 $0x10  }
0x92: {  	[smem:s4], [sflag:s15] =	dma.local [hbm:s2], $0x1  }
0x93: {  	_ =	swait.eq [sflag:s15], $0x1  }
0x94: {  	[sflag:s15] =	ssyncset.done $0x0  }
0x95: {  	s16 =	sld [smem:$0x10];
	[sflag:s15] =	ssyncadd.s32 $0xFFFFFFFF  }
0x96: {  	s17 =	sld [smem:$0x11];
	(tm) =	ssettm $0x1  }
0x97: {  	s18 =	sld [smem:$0x3FFB];
	_ =	sdelay $0x3  }
0x98: {  	_ =	strace s18  }
0x99: {  	s4 =	sld [smem:$0x3FFC];
	_ =	sdelay $0x3  }
0x9a: {  	_ =	strace s4  }
0x9b: {  	s4 =	sld [smem:$0x3FFD];
	_ =	sdelay $0x3  }
0x9c: {  	_ =	strace s4  }
0x9d: {  	_ =	strace $0x8FFFFFFF  }
0x9e: {  	s19 =	sld [smem:$0x3FDB];
	_ =	sdelay $0x1  }
0x9f: {  	s5 =	simm.s32 $_scs_section_size  }
0xa0: {  	s6 =	simm.s32 $_size__tile_overlayer_lowered;
	s7 =	simm.s32 $_tile_overlayer_lowered  }
0xa1: {  	s22 =	simm.s32 $0x1BFF;
	s21 =	sshll.u32 s7, $0x1;
	s4 =	sadd.s32 s5, s19  }
0xa2: {  	s8 =	simm.s32 $0x0;
	s20 =	sshll.u32 s6, $0x1;
	s6 =	sadd.s32 s21, s4  }
0xa3: {  	[timem:s8], [sflag:s22] =	dma.local [hbm:s6], s20  }
0xa4: {  	_ =	swait.ge [sflag:s22], s20  }
0xa5: {  	s5 =	ssub.s32 $0x0, s20;
	[sflag:s22] =	ssyncset.done $0x0  }
0xa6: {  	[sflag:s22] =	ssyncadd.s32 s5;
	_ =	sdelay $0x1  }
0xa7: {  	s23 =	simm.s32 $0x1B8B  }
0xa8: {  	_ =	swait.ge [sflag:s23], $0x1  }
0xa9: {  	[sflag:s23] =	ssyncset.done $0x0  }
0xaa: {  	s25 =	simm.s32 $0x1B8E;
	s24 =	sld [smem:$0x3FFE];
	[sflag:s23] =	ssyncadd.s32 $0xFFFFFFFF  }
0xab: {  	s26 =	simm.s32 $execute0_lowered;
	[smem:$0x3FD2] =	sst s25  }
0xac: {  	s6 =	sshll.u32 s26, $0x1;
	_ =	strace $0x80000046;
	[dreg:$0x1] =	wrdreg $0xFFFFFFFF  }
0xad: {  	s28 =	simm.s32 $_size_execute0_lowered;
	s4 =	sadd.s32 s4, s6;
	[dreg:$0x0] =	wrdreg $0x0  }
0xae: {  	s6 =	sshll.u32 s28, $0x1;
	[dreg:$0x2] =	wrdreg s4  }
0xaf: {  	[dreg:$0x3] =	wrdreg s6  }
0xb0: {  	[dreg:$0x4] =	wrdreg $0xC0  }
0xb1: {  	_ =	task [dreg:s8], $0x5FFFF  }
0xb2: {  	[dreg:$0x1] =	wrdreg $0xFFFFFFFF  }
0xb3: {  	[dreg:$0x0] =	wrdreg $0x60  }
0xb4: {  	[dreg:$0x2] =	wrdreg s24  }
0xb5: {  	[dreg:$0x3] =	wrdreg s17  }
0xb6: {  	[dreg:$0x4] =	wrdreg s16  }
0xb7: {  	[dreg:$0x5] =	wrdreg $0x64000  }
0xb8: {  	[dreg:$0x6] =	wrdreg $0x9  }
0xb9: {  	_ =	task.clear_ibuf [dreg:s8], $0x7FFFF;
	_ =	strace $0x90000046  }
0xba: {  	s29 =	simm.s32 $0x9;
	_ =	strace $0x80000048  }
0xbb: {  	_ =	swait.ge [sflag:s29], $0x1  }
0xbc: {  	[sflag:s29] =	ssyncadd.s32 $0xFFFFFFFF  }
0xbd: {  	_ =	strace $0x90000048  }
0xbe: {  	_ =	sfence  }
0xbf: {  	s30 =	sld [smem:$0x0];
	_ =	sdelay $0x2  }
0xc0: {  	s31 =	sshll.u32 s1, $0xD;
	s1 =	sshrl.u32 s1, $0x2  }
0xc1: {  	s3 =	sand.u32 $0x4000, s31;
	s1 =	sadd.s32 s1, s30  }
0xc2: {  	s0 =	sor.u32 s3, s0;
	s1 =	sshll.u32 s1, $0x11  }
0xc3: {  	s0 =	sor.u32 s1, s0  }
0xc4: {  	s0 =	sadd.s32 $0x8F2B, s0  }
0xc5: {  	[sflag:s0] =	ssyncadd.remote.s32 $0x1  }
0xc6: {  	_ =	sfence.sel $0xFFFF  }
0xc7: {  	[dreg:$0x0] =	wrdreg $0xFFFFFFFF;
	(pc) =	sbr.abs _section_cstart, $3  }
0xc8: {  	[dreg:$0x1] =	wrdreg $0xFFFFFFFF  }
0xc9: {  	_ =	task.clear_ibuf [dreg:s8], $0x2FFFF;
	_ =	strace $0x9FFFFFFF  }
0xca: {  	(tm) =	ssettm $0x7FFFFFFF  }
0xcb: {  	_ =	shalt  }
tec
execute0_lowered:
.L_overlay_start_1:
0x0: {  	(tag) =	ssettag $0x1  }
0x1: {  	s0 =	rddreg [dreg:$0x0]  }
0x2: {  	s1 =	srdreg.scid;
	s6 =	rddreg [dreg:$0x2]  }
0x3: {  	s4 =	stileid.u32;
	s7 =	rddreg [dreg:$0x3]  }
0x4: {  	s12 =	simm.s32 $0x68;
	s14 =	simm.s32 $0x60;
	s19 =	simm.s32 $0x8140  }
0x5: {  	s20 =	simm.s32 $0xB340;
	s21 =	simm.s32 $0xE540;
	s22 =	simm.s32 $0x11740  }
0x6: {  	s23 =	simm.s32 $0x14940;
	s24 =	simm.s32 $0x17B40;
	s1 =	sand.u32 $0x1, s1  }
0x7: {  	s25 =	simm.s32 $0x1AD40;
	s2 =	sshll.u32 s4, $0x8;
	s3 =	sshll.u32 s1, $0x7  }
0x8: {  	s26 =	simm.s32 $0x1DF40;
	s3 =	sor.u32 s3, s2;
	s2 =	simm.s32 $0x0  }
0x9: {  	s28 =	simm.s32 $0x8;
	s29 =	simm.s32 $0x9;
	[smem:$0x7FF] =	sst s2  }
0xa: {  	s30 =	simm.s32 $0xA;
	_ =	strace $0x80000047;
	[dreg:$0x5] =	wrdreg s19  }
0xb: {  	s31 =	simm.s32 $0xB;
	s10 =	simm.s32 $0x0;
	[dreg:$0x6] =	wrdreg s20  }
0xc: {  	s16 =	smul.u32 $0x64000, s4;
	p0 =	sne.s32 s4, $0x0;
	[dreg:$0x7] =	wrdreg s21  }
0xd: {  	s4 =	simm.s32 $0xE;
	s5 =	ssub.s32 $0x2, s1;
	[dreg:$0x8] =	wrdreg s22  }
0xe: {  	s1 =	smul.u32 $0x32000, s1;
	s9 =	sshrl.u32 s5, $0x1;
	[dreg:$0x9] =	wrdreg s23  }
0xf: {  	s18 =	sadd.s32 s16, s6;
	s6 =	simm.s32 $0xF;
	[dreg:$0xa] =	wrdreg s24  }
0x10: {  	s3 =	smul.u32 $0x19, s3;
	s15 =	ssub.s32 s5, s9;
	[dreg:$0xb] =	wrdreg s25  }
0x11: {  	s5 =	sadd.s32 $0x40, s7;
	s9 =	simm.s32 $0x10;
	[dreg:$0xc] =	wrdreg s26  }
0x12: {  	s8 =	sadd.s32 s3, s0;
	s3 =	sadd.s32 $0x39C00, s0;
	s0 =	smax.u32 s15, $0x1  }
0x13: {  	s23 =	simm.s32 $0x6;
	s17 =	sadd.s32 $0x20C00, s8;
	[dreg:$0xe] =	wrdreg s0  }
0x14: {  	s25 =	simm.s32 $0x7;
	s0 =	sadd.s32 s1, s18;
	[dreg:$0xd] =	wrdreg s17  }
0x15: {  	s26 =	simm.s32 $0x6740;
	[dreg:$0xf] =	wrdreg s0;
	s0 =	sshrl.u32 @!p0 s7, $0x3  }
0x16: {  	s1 =	simm.s32 $0xC;
	[dreg:$0x10] =	wrdreg s0;
	s0 =	simm.s32 $0xD  }
.LBB2_1:
0x17: {  	[dreg:$0x11] =	wrdreg s10  }
0x18: {  	s7 =	rddreg [dreg:$0xd];
	s20 =	simm.s32 $0x19  }
0x19: {  	[tilespmem:s2], [sflag:$0x19] =	stream.linear.gather [hbm4b:s7+s2], $0x6400, $0x38;
	[tilespmem:$0x1F740] =	vst v63  }
0x1a: {  	_ =	swait.ge [sflag:s20], $0x6400  }
0x1b: {  	[sflag:s20] =	ssyncset.done $0x0  }
0x1c: {  	s13 =	rddreg [dreg:$0x10];
	[sflag:s20] =	ssyncadd.s32 $0xFFFF9C00  }
0x1d: {  	s7 =	simm.s32 @!p0 $0x1C19;
	s8 =	rddreg [dreg:$0x1]  }
0x1e: {  	[spmem:s13], [sflag:s7] =	dma.local @!p0 [hbm:s8], $0x680  }
0x1f: {  	s7 =	simm.s32 @!p0 $0x19  }
0x20: {  	_ =	swait.ge @!p0 [sflag:s7], $0x680  }
0x21: {  	[sflag:s7] =	ssyncset.done @!p0 $0x0  }
0x22: {  	p1 =	por $0x0, $0x0;
	[sflag:s7] =	ssyncadd.s32 @!p0 $0xFFFFF980  }
0x23: {  	s7 =	simm.s32 @p1 $0x11;
	[bflag:$0x0] =	sbarrier.arrive $0xFFFF  }
0x24: {  	_ =	swait.ge @p1 [sflag:s7], $0x3200  }
0x25: {  	[sflag:s7] =	ssyncset.done @p1 $0x0  }
0x26: {  	s8 =	simm.s32 @p1 $0x12;
	[sflag:s7] =	ssyncadd.s32 @p1 $0xFFFFCE00;
	s7 =	simm.s32 @p1 $0x6740  }
0x27: {  	[tilespmem:s7], [sflag:$0x1] =	stream.linear.gather @p1 [spmem:s5], $0x3200, $0x38;
	[tilespmem:$0x1F740] =	vst v63  }
0x28: {  	_ =	swait.ge @p1 [sflag:s8], $0x3200  }
0x29: {  	[sflag:s8] =	ssyncset.done @p1 $0x0  }
0x2a: {  	s7 =	simm.s32 @p1 $0x9940;
	[sflag:s8] =	ssyncadd.s32 @p1 $0xFFFFCE00;
	s8 =	simm.s32 @p1 $0x13  }
0x2b: {  	[tilespmem:s7], [sflag:$0x2] =	stream.linear.gather @p1 [spmem:s5], $0x3200, $0x38;
	[tilespmem:$0x1F740] =	vst v63  }
0x2c: {  	_ =	swait.ge @p1 [sflag:s8], $0x3200  }
0x2d: {  	[sflag:s8] =	ssyncset.done @p1 $0x0  }
0x2e: {  	s7 =	simm.s32 @p1 $0xCB40;
	[sflag:s8] =	ssyncadd.s32 @p1 $0xFFFFCE00;
	s8 =	simm.s32 @p1 $0x14  }
0x2f: {  	[tilespmem:s7], [sflag:$0x3] =	stream.linear.gather @p1 [spmem:s5], $0x3200, $0x38;
	[tilespmem:$0x1F740] =	vst v63  }
0x30: {  	_ =	swait.ge @p1 [sflag:s8], $0x3200  }
0x31: {  	[sflag:s8] =	ssyncset.done @p1 $0x0  }
0x32: {  	s7 =	simm.s32 @p1 $0xFD40;
	[sflag:s8] =	ssyncadd.s32 @p1 $0xFFFFCE00;
	s8 =	simm.s32 @p1 $0x15  }
0x33: {  	[tilespmem:s7], [sflag:$0x4] =	stream.linear.gather @p1 [spmem:s5], $0x3200, $0x38;
	[tilespmem:$0x1F740] =	vst v63  }
0x34: {  	_ =	swait.ge @p1 [sflag:s8], $0x3200  }
0x35: {  	[sflag:s8] =	ssyncset.done @p1 $0x0  }
0x36: {  	s7 =	simm.s32 @p1 $0x12F40;
	[sflag:s8] =	ssyncadd.s32 @p1 $0xFFFFCE00;
	s8 =	simm.s32 @p1 $0x16  }
0x37: {  	[tilespmem:s7], [sflag:$0x5] =	stream.linear.gather @p1 [spmem:s5], $0x3200, $0x38;
	[tilespmem:$0x1F740] =	vst v63  }
0x38: {  	_ =	swait.ge @p1 [sflag:s8], $0x3200  }
0x39: {  	[sflag:s8] =	ssyncset.done @p1 $0x0  }
0x3a: {  	s7 =	simm.s32 @p1 $0x16140;
	[sflag:s8] =	ssyncadd.s32 @p1 $0xFFFFCE00;
	s8 =	simm.s32 @p1 $0x17  }
0x3b: {  	[tilespmem:s7], [sflag:$0x6] =	stream.linear.gather @p1 [spmem:s5], $0x3200, $0x38;
	[tilespmem:$0x1F740] =	vst v63  }
0x3c: {  	_ =	swait.ge @p1 [sflag:s8], $0x3200  }
0x3d: {  	[sflag:s8] =	ssyncset.done @p1 $0x0  }
0x3e: {  	s7 =	simm.s32 @p1 $0x19340;
	[sflag:s8] =	ssyncadd.s32 @p1 $0xFFFFCE00;
	s8 =	simm.s32 @p1 $0x18  }
0x3f: {  	[tilespmem:s7], [sflag:$0x7] =	stream.linear.gather @p1 [spmem:s5], $0x3200, $0x38;
	[tilespmem:$0x1F740] =	vst v63  }
0x40: {  	_ =	swait.ge @p1 [sflag:s8], $0x3200  }
0x41: {  	[sflag:s8] =	ssyncset.done @p1 $0x0  }
0x42: {  	s7 =	simm.s32 @!p1 $0x6740;
	[sflag:s8] =	ssyncadd.s32 @p1 $0xFFFFCE00  }
0x43: {  	[tilespmem:s7], [sflag:$0x1] =	stream.linear.gather @!p1 [spmem:s5], $0x3200, $0x38;
	[tilespmem:$0x1F740] =	vst v63  }
0x44: {  	s7 =	simm.s32 @!p1 $0x9940  }
0x45: {  	[tilespmem:s7], [sflag:$0x2] =	stream.linear.gather @!p1 [spmem:s5], $0x3200, $0x38;
	[tilespmem:$0x1F740] =	vst v63  }
0x46: {  	s7 =	simm.s32 @!p1 $0xCB40  }
0x47: {  	[tilespmem:s7], [sflag:$0x3] =	stream.linear.gather @!p1 [spmem:s5], $0x3200, $0x38;
	[tilespmem:$0x1F740] =	vst v63  }
0x48: {  	s7 =	simm.s32 @!p1 $0xFD40  }
0x49: {  	[tilespmem:s7], [sflag:$0x4] =	stream.linear.gather @!p1 [spmem:s5], $0x3200, $0x38;
	[tilespmem:$0x1F740] =	vst v63  }
0x4a: {  	s7 =	simm.s32 @!p1 $0x12F40  }
0x4b: {  	[tilespmem:s7], [sflag:$0x5] =	stream.linear.gather @!p1 [spmem:s5], $0x3200, $0x38;
	[tilespmem:$0x1F740] =	vst v63  }
0x4c: {  	s7 =	simm.s32 @!p1 $0x16140  }
0x4d: {  	[tilespmem:s7], [sflag:$0x6] =	stream.linear.gather @!p1 [spmem:s5], $0x3200, $0x38;
	[tilespmem:$0x1F740] =	vst v63  }
0x4e: {  	s7 =	simm.s32 @!p1 $0x19340  }
0x4f: {  	[tilespmem:s7], [sflag:$0x7] =	stream.linear.gather @!p1 [spmem:s5], $0x3200, $0x38;
	[tilespmem:$0x1F740] =	vst v63  }
0x50: {  	s11 =	simm.s32 $0x1C540;
	s21 =	simm.s32 $0x1  }
0x51: {  	[tilespmem:s11], [sflag:$0x8] =	stream.linear.gather [spmem:s5], $0x3200, $0x38;
	[tilespmem:$0x1F740] =	vst v63  }
0x52: {  	_ =	swait.ge [sflag:s21], $0x3200  }
0x53: {  	[sflag:s21] =	ssyncset.done $0x0  }
0x54: {  	s22 =	simm.s32 $0x0;
	s13 =	simm.s32 $0x6740;
	[sflag:s21] =	ssyncadd.s32 $0xFFFFCE00  }
0x55: {  	[tilespmem:s13], [sflag:$0x9] =	stream.indirect.gather.add.f32 [hbm:s3], $0x40, s22, s12, $0xb8;
	[tilespmem:$0x1F740] =	vst v63  }
0x56: {  	s10 =	simm.s32 $0x68;
	s15 =	simm.s32 $0x2;
	s24 =	rddreg [dreg:$0x5]  }
0x57: {  	[tilespmem:s24], [sflag:$0x9] =	stream.indirect.gather.add.f32 [hbm:s3], $0x40, s10, s14, $0xb8;
	[tilespmem:$0x1F740] =	vst v63  }
0x58: {  	_ =	swait.ge [sflag:s15], $0x3200  }
0x59: {  	[sflag:s15] =	ssyncset.done $0x0  }
0x5a: {  	s16 =	simm.s32 $0xC8;
	s18 =	simm.s32 $0x9940;
	[sflag:s15] =	ssyncadd.s32 $0xFFFFCE00  }
0x5b: {  	[tilespmem:s18], [sflag:$0xA] =	stream.indirect.gather.add.f32 [hbm:s3], $0x40, s16, s12, $0xb8;
	[tilespmem:$0x1F740] =	vst v63  }
0x5c: {  	s19 =	simm.s32 $0x130;
	s20 =	simm.s32 $0x3;
	s17 =	rddreg [dreg:$0x6]  }
0x5d: {  	[tilespmem:s17], [sflag:$0xA] =	stream.indirect.gather.add.f32 [hbm:s3], $0x40, s19, s14, $0xb8;
	[tilespmem:$0x1F740] =	vst v63  }
0x5e: {  	_ =	swait.ge [sflag:s20], $0x3200  }
0x5f: {  	[sflag:s20] =	ssyncset.done $0x0  }
0x60: {  	s21 =	simm.s32 $0x190;
	s10 =	simm.s32 $0xCB40;
	[sflag:s20] =	ssyncadd.s32 $0xFFFFCE00  }
0x61: {  	[tilespmem:s10], [sflag:$0xB] =	stream.indirect.gather.add.f32 [hbm:s3], $0x40, s21, s12, $0xb8;
	[tilespmem:$0x1F740] =	vst v63  }
0x62: {  	s24 =	simm.s32 $0x1F8;
	s15 =	simm.s32 $0x4;
	s22 =	rddreg [dreg:$0x7]  }
0x63: {  	[tilespmem:s22], [sflag:$0xB] =	stream.indirect.gather.add.f32 [hbm:s3], $0x40, s24, s14, $0xb8;
	[tilespmem:$0x1F740] =	vst v63  }
0x64: {  	_ =	swait.ge [sflag:s15], $0x3200  }
0x65: {  	[sflag:s15] =	ssyncset.done $0x0  }
0x66: {  	s16 =	simm.s32 $0x258;
	[sflag:s15] =	ssyncadd.s32 $0xFFFFCE00;
	s15 =	simm.s32 $0xFD40  }
0x67: {  	[tilespmem:s15], [sflag:$0xC] =	stream.indirect.gather.add.f32 [hbm:s3], $0x40, s16, s12, $0xb8;
	[tilespmem:$0x1F740] =	vst v63  }
0x68: {  	s19 =	simm.s32 $0x2C0;
	s20 =	simm.s32 $0x5;
	s17 =	rddreg [dreg:$0x8]  }
0x69: {  	[tilespmem:s17], [sflag:$0xC] =	stream.indirect.gather.add.f32 [hbm:s3], $0x40, s19, s14, $0xb8;
	[tilespmem:$0x1F740] =	vst v63  }
0x6a: {  	_ =	swait.ge [sflag:s20], $0x3200  }
0x6b: {  	[sflag:s20] =	ssyncset.done $0x0  }
0x6c: {  	s21 =	simm.s32 $0x320;
	s17 =	simm.s32 $0x12F40;
	[sflag:s20] =	ssyncadd.s32 $0xFFFFCE00  }
0x6d: {  	[tilespmem:s17], [sflag:$0xD] =	stream.indirect.gather.add.f32 [hbm:s3], $0x40, s21, s12, $0xb8;
	[tilespmem:$0x1F740] =	vst v63  }
0x6e: {  	s24 =	simm.s32 $0x388;
	s22 =	rddreg [dreg:$0x9]  }
0x6f: {  	[tilespmem:s22], [sflag:$0xD] =	stream.indirect.gather.add.f32 [hbm:s3], $0x40, s24, s14, $0xb8;
	[tilespmem:$0x1F740] =	vst v63  }
0x70: {  	_ =	swait.ge [sflag:s23], $0x3200  }
0x71: {  	[sflag:s23] =	ssyncset.done $0x0  }
0x72: {  	s16 =	simm.s32 $0x3E8;
	s19 =	simm.s32 $0x16140;
	[sflag:s23] =	ssyncadd.s32 $0xFFFFCE00  }
0x73: {  	[tilespmem:s19], [sflag:$0xE] =	stream.indirect.gather.add.f32 [hbm:s3], $0x40, s16, s12, $0xb8;
	[tilespmem:$0x1F740] =	vst v63  }
0x74: {  	s21 =	simm.s32 $0x450;
	s20 =	rddreg [dreg:$0xa]  }
0x75: {  	[tilespmem:s20], [sflag:$0xE] =	stream.indirect.gather.add.f32 [hbm:s3], $0x40, s21, s14, $0xb8;
	[tilespmem:$0x1F740] =	vst v63  }
0x76: {  	_ =	swait.ge [sflag:s25], $0x3200  }
0x77: {  	[sflag:s25] =	ssyncset.done $0x0  }
0x78: {  	s22 =	simm.s32 $0x4B0;
	s20 =	simm.s32 $0x19340;
	[sflag:s25] =	ssyncadd.s32 $0xFFFFCE00  }
0x79: {  	[tilespmem:s20], [sflag:$0xF] =	stream.indirect.gather.add.f32 [hbm:s3], $0x40, s22, s12, $0xb8;
	[tilespmem:$0x1F740] =	vst v63  }
0x7a: {  	s16 =	simm.s32 $0x518;
	s24 =	rddreg [dreg:$0xb]  }
0x7b: {  	[tilespmem:s24], [sflag:$0xF] =	stream.indirect.gather.add.f32 [hbm:s3], $0x40, s16, s14, $0xb8;
	[tilespmem:$0x1F740] =	vst v63  }
0x7c: {  	_ =	swait.ge [sflag:s28], $0x3200  }
0x7d: {  	[sflag:s28] =	ssyncset.done $0x0  }
0x7e: {  	s21 =	simm.s32 $0x578;
	[sflag:s28] =	ssyncadd.s32 $0xFFFFCE00  }
0x7f: {  	[tilespmem:s11], [sflag:$0x10] =	stream.indirect.gather.add.f32 [hbm:s3], $0x40, s21, s12, $0xb8;
	[tilespmem:$0x1F740] =	vst v63  }
0x80: {  	s24 =	simm.s32 $0x5E0;
	s22 =	rddreg [dreg:$0xc]  }
0x81: {  	[tilespmem:s22], [sflag:$0x10] =	stream.indirect.gather.add.f32 [hbm:s3], $0x40, s24, s14, $0xb8;
	[tilespmem:$0x1F740] =	vst v63  }
0x82: {  	_ =	swait.ge [sflag:s29], $0x1A00  }
0x83: {  	[sflag:s29] =	ssyncset.done $0x0  }
0x84: {  	[sflag:s29] =	ssyncadd.s32 $0xFFFFE600  }
0x85: {  	_ =	swait.ge [sflag:s29], $0x1800  }
0x86: {  	[sflag:s29] =	ssyncset.done $0x0  }
0x87: {  	s16 =	rddreg [dreg:$0xf];
	[sflag:s29] =	ssyncadd.s32 $0xFFFFE800  }
0x88: {  	[hbm4b:s16+s2] =	stream.linear.scatter [tilespmem:s13], [sflag:$0x11], $0x3200, $0x38;
	[tilespmem:$0x1F740] =	vst v63  }
0x89: {  	_ =	swait.ge [sflag:s30], $0x1A00  }
0x8a: {  	[sflag:s30] =	ssyncset.done $0x0  }
0x8b: {  	[sflag:s30] =	ssyncadd.s32 $0xFFFFE600  }
0x8c: {  	_ =	swait.ge [sflag:s30], $0x1800  }
0x8d: {  	[sflag:s30] =	ssyncset.done $0x0  }
0x8e: {  	s11 =	sadd.s32 $0x640, s16;
	[sflag:s30] =	ssyncadd.s32 $0xFFFFE800  }
0x8f: {  	[hbm4b:s11+s2] =	stream.linear.scatter [tilespmem:s18], [sflag:$0x12], $0x3200, $0x38;
	[tilespmem:$0x1F740] =	vst v63  }
0x90: {  	_ =	swait.ge [sflag:s31], $0x1A00  }
0x91: {  	[sflag:s31] =	ssyncset.done $0x0  }
0x92: {  	[sflag:s31] =	ssyncadd.s32 $0xFFFFE600  }
0x93: {  	_ =	swait.ge [sflag:s31], $0x1800  }
0x94: {  	[sflag:s31] =	ssyncset.done $0x0  }
0x95: {  	s13 =	sadd.s32 $0xC80, s16;
	[sflag:s31] =	ssyncadd.s32 $0xFFFFE800  }
0x96: {  	[hbm4b:s13+s2] =	stream.linear.scatter [tilespmem:s10], [sflag:$0x13], $0x3200, $0x38;
	[tilespmem:$0x1F740] =	vst v63  }
0x97: {  	_ =	swait.ge [sflag:s1], $0x1A00  }
0x98: {  	[sflag:s1] =	ssyncset.done $0x0  }
0x99: {  	[sflag:s1] =	ssyncadd.s32 $0xFFFFE600  }
0x9a: {  	_ =	swait.ge [sflag:s1], $0x1800  }
0x9b: {  	[sflag:s1] =	ssyncset.done $0x0  }
0x9c: {  	s18 =	sadd.s32 $0x12C0, s16;
	[sflag:s1] =	ssyncadd.s32 $0xFFFFE800  }
0x9d: {  	[hbm4b:s18+s2] =	stream.linear.scatter [tilespmem:s15], [sflag:$0x14], $0x3200, $0x38;
	[tilespmem:$0x1F740] =	vst v63  }
0x9e: {  	_ =	swait.ge [sflag:s0], $0x1A00  }
0x9f: {  	[sflag:s0] =	ssyncset.done $0x0  }
0xa0: {  	[sflag:s0] =	ssyncadd.s32 $0xFFFFE600  }
0xa1: {  	_ =	swait.ge [sflag:s0], $0x1800  }
0xa2: {  	[sflag:s0] =	ssyncset.done $0x0  }
0xa3: {  	s21 =	sadd.s32 $0x1900, s16;
	[sflag:s0] =	ssyncadd.s32 $0xFFFFE800  }
0xa4: {  	[hbm4b:s21+s2] =	stream.linear.scatter [tilespmem:s17], [sflag:$0x15], $0x3200, $0x38;
	[tilespmem:$0x1F740] =	vst v63  }
0xa5: {  	_ =	swait.ge [sflag:s4], $0x1A00  }
0xa6: {  	[sflag:s4] =	ssyncset.done $0x0  }
0xa7: {  	[sflag:s4] =	ssyncadd.s32 $0xFFFFE600  }
0xa8: {  	_ =	swait.ge [sflag:s4], $0x1800  }
0xa9: {  	[sflag:s4] =	ssyncset.done $0x0  }
0xaa: {  	s22 =	sadd.s32 $0x1F40, s16;
	[sflag:s4] =	ssyncadd.s32 $0xFFFFE800  }
0xab: {  	[hbm4b:s22+s2] =	stream.linear.scatter [tilespmem:s19], [sflag:$0x16], $0x3200, $0x38;
	[tilespmem:$0x1F740] =	vst v63  }
0xac: {  	_ =	swait.ge [sflag:s6], $0x1A00  }
0xad: {  	[sflag:s6] =	ssyncset.done $0x0  }
0xae: {  	[sflag:s6] =	ssyncadd.s32 $0xFFFFE600  }
0xaf: {  	_ =	swait.ge [sflag:s6], $0x1800  }
0xb0: {  	[sflag:s6] =	ssyncset.done $0x0  }
0xb1: {  	s24 =	sadd.s32 $0x2580, s16;
	[sflag:s6] =	ssyncadd.s32 $0xFFFFE800  }
0xb2: {  	[hbm4b:s24+s2] =	stream.linear.scatter [tilespmem:s20], [sflag:$0x17], $0x3200, $0x38;
	[tilespmem:$0x1F740] =	vst v63  }
0xb3: {  	_ =	swait.ge [sflag:s9], $0x1A00  }
0xb4: {  	[sflag:s9] =	ssyncset.done $0x0  }
0xb5: {  	p2 =	por $0x1, $0x1;
	[sflag:s9] =	ssyncadd.s32 $0xFFFFE600  }
0xb6: {  	s7 =	simm.s32 $0x1900;
	s8 =	sadd.s32 $0x3200, s16;
	_ =	swait.ge [sflag:s9], $0x1800  }
0xb7: {  	s13 =	simm.s32 $0x3200;
	s20 =	sadd.s32 $0x2BC0, s16;
	[sflag:s9] =	ssyncset.done $0x0  }
.LBB2_2:
0xb8: {  	s22 =	simm.s32 @p2 $0x11;
	[sflag:s9] =	ssyncadd.s32 $0xFFFFE800;
	s11 =	simm.s32 $0x1C540  }
0xb9: {  	[hbm4b:s20+s2] =	stream.linear.scatter [tilespmem:s11], [sflag:$0x18], $0x3200, $0x38;
	[tilespmem:$0x1F740] =	vst v63  }
0xba: {  	_ =	swait.ge @p2 [sflag:s22], $0x3200  }
0xbb: {  	[sflag:s22] =	ssyncset.done @p2 $0x0  }
0xbc: {  	s20 =	simm.s32 @p2 $0x6740;
	[sflag:s22] =	ssyncadd.s32 @p2 $0xFFFFCE00;
	s22 =	simm.s32 @p2 $0x12  }
0xbd: {  	[tilespmem:s20], [sflag:$0x1] =	stream.linear.gather @p2 [spmem:s5], $0x3200, $0x38;
	[tilespmem:$0x1F740] =	vst v63  }
0xbe: {  	_ =	swait.ge @p2 [sflag:s22], $0x3200  }
0xbf: {  	[sflag:s22] =	ssyncset.done @p2 $0x0  }
0xc0: {  	s20 =	simm.s32 @p2 $0x9940;
	[sflag:s22] =	ssyncadd.s32 @p2 $0xFFFFCE00;
	s22 =	simm.s32 @p2 $0x13  }
0xc1: {  	[tilespmem:s20], [sflag:$0x2] =	stream.linear.gather @p2 [spmem:s5], $0x3200, $0x38;
	[tilespmem:$0x1F740] =	vst v63  }
0xc2: {  	_ =	swait.ge @p2 [sflag:s22], $0x3200  }
0xc3: {  	[sflag:s22] =	ssyncset.done @p2 $0x0  }
0xc4: {  	s20 =	simm.s32 @p2 $0xCB40;
	[sflag:s22] =	ssyncadd.s32 @p2 $0xFFFFCE00;
	s22 =	simm.s32 @p2 $0x14  }
0xc5: {  	[tilespmem:s20], [sflag:$0x3] =	stream.linear.gather @p2 [spmem:s5], $0x3200, $0x38;
	[tilespmem:$0x1F740] =	vst v63  }
0xc6: {  	_ =	swait.ge @p2 [sflag:s22], $0x3200  }
0xc7: {  	[sflag:s22] =	ssyncset.done @p2 $0x0  }
0xc8: {  	s20 =	simm.s32 @p2 $0xFD40;
	[sflag:s22] =	ssyncadd.s32 @p2 $0xFFFFCE00;
	s22 =	simm.s32 @p2 $0x15  }
0xc9: {  	[tilespmem:s20], [sflag:$0x4] =	stream.linear.gather @p2 [spmem:s5], $0x3200, $0x38;
	[tilespmem:$0x1F740] =	vst v63  }
0xca: {  	_ =	swait.ge @p2 [sflag:s22], $0x3200  }
0xcb: {  	[sflag:s22] =	ssyncset.done @p2 $0x0  }
0xcc: {  	s20 =	simm.s32 @p2 $0x12F40;
	[sflag:s22] =	ssyncadd.s32 @p2 $0xFFFFCE00;
	s22 =	simm.s32 @p2 $0x16  }
0xcd: {  	[tilespmem:s20], [sflag:$0x5] =	stream.linear.gather @p2 [spmem:s5], $0x3200, $0x38;
	[tilespmem:$0x1F740] =	vst v63  }
0xce: {  	_ =	swait.ge @p2 [sflag:s22], $0x3200  }
0xcf: {  	[sflag:s22] =	ssyncset.done @p2 $0x0  }
0xd0: {  	s20 =	simm.s32 @p2 $0x16140;
	[sflag:s22] =	ssyncadd.s32 @p2 $0xFFFFCE00;
	s22 =	simm.s32 @p2 $0x17  }
0xd1: {  	[tilespmem:s20], [sflag:$0x6] =	stream.linear.gather @p2 [spmem:s5], $0x3200, $0x38;
	[tilespmem:$0x1F740] =	vst v63  }
0xd2: {  	_ =	swait.ge @p2 [sflag:s22], $0x3200  }
0xd3: {  	[sflag:s22] =	ssyncset.done @p2 $0x0  }
0xd4: {  	s20 =	simm.s32 @p2 $0x19340;
	[sflag:s22] =	ssyncadd.s32 @p2 $0xFFFFCE00;
	s22 =	simm.s32 @p2 $0x18  }
0xd5: {  	[tilespmem:s20], [sflag:$0x7] =	stream.linear.gather @p2 [spmem:s5], $0x3200, $0x38;
	[tilespmem:$0x1F740] =	vst v63  }
0xd6: {  	_ =	swait.ge @p2 [sflag:s22], $0x3200  }
0xd7: {  	[sflag:s22] =	ssyncset.done @p2 $0x0  }
0xd8: {  	s20 =	simm.s32 @!p2 $0x6740;
	[sflag:s22] =	ssyncadd.s32 @p2 $0xFFFFCE00  }
0xd9: {  	[tilespmem:s20], [sflag:$0x1] =	stream.linear.gather @!p2 [spmem:s5], $0x3200, $0x38;
	[tilespmem:$0x1F740] =	vst v63  }
0xda: {  	s20 =	simm.s32 @!p2 $0x9940  }
0xdb: {  	[tilespmem:s20], [sflag:$0x2] =	stream.linear.gather @!p2 [spmem:s5], $0x3200, $0x38;
	[tilespmem:$0x1F740] =	vst v63  }
0xdc: {  	s20 =	simm.s32 @!p2 $0xCB40  }
0xdd: {  	[tilespmem:s20], [sflag:$0x3] =	stream.linear.gather @!p2 [spmem:s5], $0x3200, $0x38;
	[tilespmem:$0x1F740] =	vst v63  }
0xde: {  	s20 =	simm.s32 @!p2 $0xFD40  }
0xdf: {  	[tilespmem:s20], [sflag:$0x4] =	stream.linear.gather @!p2 [spmem:s5], $0x3200, $0x38;
	[tilespmem:$0x1F740] =	vst v63  }
0xe0: {  	s20 =	simm.s32 @!p2 $0x12F40  }
0xe1: {  	[tilespmem:s20], [sflag:$0x5] =	stream.linear.gather @!p2 [spmem:s5], $0x3200, $0x38;
	[tilespmem:$0x1F740] =	vst v63  }
0xe2: {  	s20 =	simm.s32 @!p2 $0x16140  }
0xe3: {  	[tilespmem:s20], [sflag:$0x6] =	stream.linear.gather @!p2 [spmem:s5], $0x3200, $0x38;
	[tilespmem:$0x1F740] =	vst v63  }
0xe4: {  	s20 =	simm.s32 @!p2 $0x19340  }
0xe5: {  	[tilespmem:s20], [sflag:$0x7] =	stream.linear.gather @!p2 [spmem:s5], $0x3200, $0x38;
	[tilespmem:$0x1F740] =	vst v63  }
0xe6: {  	s10 =	simm.s32 $0x1  }
0xe7: {  	[tilespmem:s11], [sflag:$0x8] =	stream.linear.gather [spmem:s5], $0x3200, $0x38;
	[tilespmem:$0x1F740] =	vst v63  }
0xe8: {  	_ =	swait.ge [sflag:s10], $0x3200  }
0xe9: {  	[sflag:s10] =	ssyncset.done $0x0  }
0xea: {  	s20 =	sshra.s32 s7, $0x2;
	[sflag:s10] =	ssyncadd.s32 $0xFFFFCE00  }
0xeb: {  	[tilespmem:s26], [sflag:$0x9] =	stream.indirect.gather.add.f32 [hbm:s3], $0x40, s20, s12, $0xb8;
	[tilespmem:$0x1F740] =	vst v63  }
0xec: {  	s24 =	sadd.s32 $0x68, s20;
	s21 =	rddreg [dreg:$0x5]  }
0xed: {  	[tilespmem:s21], [sflag:$0x9] =	stream.indirect.gather.add.f32 [hbm:s3], $0x40, s24, s14, $0xb8;
	[tilespmem:$0x1F740] =	vst v63  }
0xee: {  	s24 =	simm.s32 $0x2  }
0xef: {  	_ =	swait.ge [sflag:s24], $0x3200  }
0xf0: {  	[sflag:s24] =	ssyncset.done $0x0  }
0xf1: {  	s15 =	sadd.s32 $0xC8, s20;
	[sflag:s24] =	ssyncadd.s32 $0xFFFFCE00;
	s24 =	simm.s32 $0x9940  }
0xf2: {  	[tilespmem:s24], [sflag:$0xA] =	stream.indirect.gather.add.f32 [hbm:s3], $0x40, s15, s12, $0xb8;
	[tilespmem:$0x1F740] =	vst v63  }
0xf3: {  	s19 =	sadd.s32 $0x130, s20;
	s21 =	simm.s32 $0x3;
	s17 =	rddreg [dreg:$0x6]  }
0xf4: {  	[tilespmem:s17], [sflag:$0xA] =	stream.indirect.gather.add.f32 [hbm:s3], $0x40, s19, s14, $0xb8;
	[tilespmem:$0x1F740] =	vst v63  }
0xf5: {  	_ =	swait.ge [sflag:s21], $0x3200  }
0xf6: {  	[sflag:s21] =	ssyncset.done $0x0  }
0xf7: {  	s22 =	sadd.s32 $0x190, s20;
	s10 =	simm.s32 $0xCB40;
	[sflag:s21] =	ssyncadd.s32 $0xFFFFCE00  }
0xf8: {  	[tilespmem:s10], [sflag:$0xB] =	stream.indirect.gather.add.f32 [hbm:s3], $0x40, s22, s12, $0xb8;
	[tilespmem:$0x1F740] =	vst v63  }
0xf9: {  	s17 =	sadd.s32 $0x1F8, s20;
	s15 =	rddreg [dreg:$0x7]  }
0xfa: {  	[tilespmem:s15], [sflag:$0xB] =	stream.indirect.gather.add.f32 [hbm:s3], $0x40, s17, s14, $0xb8;
	[tilespmem:$0x1F740] =	vst v63  }
0xfb: {  	s15 =	simm.s32 $0x4  }
0xfc: {  	_ =	swait.ge [sflag:s15], $0x3200  }
0xfd: {  	[sflag:s15] =	ssyncset.done $0x0  }
0xfe: {  	s19 =	sadd.s32 $0x258, s20;
	[sflag:s15] =	ssyncadd.s32 $0xFFFFCE00;
	s15 =	simm.s32 $0xFD40  }
0xff: {  	[tilespmem:s15], [sflag:$0xC] =	stream.indirect.gather.add.f32 [hbm:s3], $0x40, s19, s12, $0xb8;
	[tilespmem:$0x1F740] =	vst v63  }
0x100: {  	s17 =	sadd.s32 $0x2C0, s20;
	s21 =	rddreg [dreg:$0x8]  }
0x101: {  	[tilespmem:s21], [sflag:$0xC] =	stream.indirect.gather.add.f32 [hbm:s3], $0x40, s17, s14, $0xb8;
	[tilespmem:$0x1F740] =	vst v63  }
0x102: {  	s17 =	simm.s32 $0x5  }
0x103: {  	_ =	swait.ge [sflag:s17], $0x3200  }
0x104: {  	[sflag:s17] =	ssyncset.done $0x0  }
0x105: {  	s19 =	sadd.s32 $0x320, s20;
	[sflag:s17] =	ssyncadd.s32 $0xFFFFCE00;
	s17 =	simm.s32 $0x12F40  }
0x106: {  	[tilespmem:s17], [sflag:$0xD] =	stream.indirect.gather.add.f32 [hbm:s3], $0x40, s19, s12, $0xb8;
	[tilespmem:$0x1F740] =	vst v63  }
0x107: {  	s21 =	rddreg [dreg:$0x9];
	s19 =	sadd.s32 $0x388, s20  }
0x108: {  	[tilespmem:s21], [sflag:$0xD] =	stream.indirect.gather.add.f32 [hbm:s3], $0x40, s19, s14, $0xb8;
	[tilespmem:$0x1F740] =	vst v63  }
0x109: {  	_ =	swait.ge [sflag:s23], $0x3200  }
0x10a: {  	[sflag:s23] =	ssyncset.done $0x0  }
0x10b: {  	s21 =	sadd.s32 $0x3E8, s20;
	s19 =	simm.s32 $0x16140;
	[sflag:s23] =	ssyncadd.s32 $0xFFFFCE00  }
0x10c: {  	[tilespmem:s19], [sflag:$0xE] =	stream.indirect.gather.add.f32 [hbm:s3], $0x40, s21, s12, $0xb8;
	[tilespmem:$0x1F740] =	vst v63  }
0x10d: {  	s22 =	rddreg [dreg:$0xa];
	s21 =	sadd.s32 $0x450, s20  }
0x10e: {  	[tilespmem:s22], [sflag:$0xE] =	stream.indirect.gather.add.f32 [hbm:s3], $0x40, s21, s14, $0xb8;
	[tilespmem:$0x1F740] =	vst v63  }
0x10f: {  	s18 =	smov.u32 s13;
	_ =	swait.ge [sflag:s25], $0x3200  }
0x110: {  	s7 =	smov.u32 s18;
	[sflag:s25] =	ssyncset.done $0x0  }
0x111: {  	s18 =	sadd.s32 $0x4B0, s20;
	s21 =	simm.s32 $0x19340;
	[sflag:s25] =	ssyncadd.s32 $0xFFFFCE00  }
0x112: {  	[tilespmem:s21], [sflag:$0xF] =	stream.indirect.gather.add.f32 [hbm:s3], $0x40, s18, s12, $0xb8;
	[tilespmem:$0x1F740] =	vst v63  }
0x113: {  	s22 =	rddreg [dreg:$0xb];
	s18 =	sadd.s32 $0x518, s20  }
0x114: {  	[tilespmem:s22], [sflag:$0xF] =	stream.indirect.gather.add.f32 [hbm:s3], $0x40, s18, s14, $0xb8;
	[tilespmem:$0x1F740] =	vst v63  }
0x115: {  	_ =	swait.ge [sflag:s28], $0x3200  }
0x116: {  	[sflag:s28] =	ssyncset.done $0x0  }
0x117: {  	s18 =	sadd.s32 $0x578, s20;
	[sflag:s28] =	ssyncadd.s32 $0xFFFFCE00  }
0x118: {  	[tilespmem:s11], [sflag:$0x10] =	stream.indirect.gather.add.f32 [hbm:s3], $0x40, s18, s12, $0xb8;
	[tilespmem:$0x1F740] =	vst v63  }
0x119: {  	s20 =	sadd.s32 $0x5E0, s20;
	s22 =	rddreg [dreg:$0xc]  }
0x11a: {  	[tilespmem:s22], [sflag:$0x10] =	stream.indirect.gather.add.f32 [hbm:s3], $0x40, s20, s14, $0xb8;
	[tilespmem:$0x1F740] =	vst v63  }
0x11b: {  	_ =	swait.ge [sflag:s29], $0x1A00  }
0x11c: {  	[sflag:s29] =	ssyncset.done $0x0  }
0x11d: {  	[sflag:s29] =	ssyncadd.s32 $0xFFFFE600  }
0x11e: {  	_ =	swait.ge [sflag:s29], $0x1800  }
0x11f: {  	[sflag:s29] =	ssyncset.done $0x0  }
0x120: {  	[sflag:s29] =	ssyncadd.s32 $0xFFFFE800  }
0x121: {  	[hbm4b:s8+s2] =	stream.linear.scatter [tilespmem:s26], [sflag:$0x11], $0x3200, $0x38;
	[tilespmem:$0x1F740] =	vst v63  }
0x122: {  	_ =	swait.ge [sflag:s30], $0x1A00  }
0x123: {  	[sflag:s30] =	ssyncset.done $0x0  }
0x124: {  	[sflag:s30] =	ssyncadd.s32 $0xFFFFE600  }
0x125: {  	_ =	swait.ge [sflag:s30], $0x1800  }
0x126: {  	[sflag:s30] =	ssyncset.done $0x0  }
0x127: {  	s22 =	sadd.s32 $0x640, s8;
	[sflag:s30] =	ssyncadd.s32 $0xFFFFE800  }
0x128: {  	[hbm4b:s22+s2] =	stream.linear.scatter [tilespmem:s24], [sflag:$0x12], $0x3200, $0x38;
	[tilespmem:$0x1F740] =	vst v63  }
0x129: {  	_ =	swait.ge [sflag:s31], $0x1A00  }
0x12a: {  	[sflag:s31] =	ssyncset.done $0x0  }
0x12b: {  	[sflag:s31] =	ssyncadd.s32 $0xFFFFE600  }
0x12c: {  	_ =	swait.ge [sflag:s31], $0x1800  }
0x12d: {  	[sflag:s31] =	ssyncset.done $0x0  }
0x12e: {  	s24 =	sadd.s32 $0xC80, s8;
	[sflag:s31] =	ssyncadd.s32 $0xFFFFE800  }
0x12f: {  	[hbm4b:s24+s2] =	stream.linear.scatter [tilespmem:s10], [sflag:$0x13], $0x3200, $0x38;
	[tilespmem:$0x1F740] =	vst v63  }
0x130: {  	_ =	swait.ge [sflag:s1], $0x1A00  }
0x131: {  	[sflag:s1] =	ssyncset.done $0x0  }
0x132: {  	[sflag:s1] =	ssyncadd.s32 $0xFFFFE600  }
0x133: {  	_ =	swait.ge [sflag:s1], $0x1800  }
0x134: {  	[sflag:s1] =	ssyncset.done $0x0  }
0x135: {  	s11 =	sadd.s32 $0x12C0, s8;
	[sflag:s1] =	ssyncadd.s32 $0xFFFFE800  }
0x136: {  	[hbm4b:s11+s2] =	stream.linear.scatter [tilespmem:s15], [sflag:$0x14], $0x3200, $0x38;
	[tilespmem:$0x1F740] =	vst v63  }
0x137: {  	_ =	swait.ge [sflag:s0], $0x1A00  }
0x138: {  	[sflag:s0] =	ssyncset.done $0x0  }
0x139: {  	[sflag:s0] =	ssyncadd.s32 $0xFFFFE600  }
0x13a: {  	_ =	swait.ge [sflag:s0], $0x1800  }
0x13b: {  	[sflag:s0] =	ssyncset.done $0x0  }
0x13c: {  	s20 =	sadd.s32 $0x1900, s8;
	[sflag:s0] =	ssyncadd.s32 $0xFFFFE800  }
0x13d: {  	[hbm4b:s20+s2] =	stream.linear.scatter [tilespmem:s17], [sflag:$0x15], $0x3200, $0x38;
	[tilespmem:$0x1F740] =	vst v63  }
0x13e: {  	_ =	swait.ge [sflag:s4], $0x1A00  }
0x13f: {  	[sflag:s4] =	ssyncset.done $0x0  }
0x140: {  	[sflag:s4] =	ssyncadd.s32 $0xFFFFE600  }
0x141: {  	_ =	swait.ge [sflag:s4], $0x1800  }
0x142: {  	[sflag:s4] =	ssyncset.done $0x0  }
0x143: {  	s22 =	sadd.s32 $0x1F40, s8;
	[sflag:s4] =	ssyncadd.s32 $0xFFFFE800  }
0x144: {  	[hbm4b:s22+s2] =	stream.linear.scatter [tilespmem:s19], [sflag:$0x16], $0x3200, $0x38;
	[tilespmem:$0x1F740] =	vst v63  }
0x145: {  	_ =	swait.ge [sflag:s6], $0x1A00  }
0x146: {  	[sflag:s6] =	ssyncset.done $0x0  }
0x147: {  	[sflag:s6] =	ssyncadd.s32 $0xFFFFE600  }
0x148: {  	_ =	swait.ge [sflag:s6], $0x1800  }
0x149: {  	s13 =	sadd.s32 $0x1900, s13;
	[sflag:s6] =	ssyncset.done $0x0  }
0x14a: {  	p1 =	sne.s32 s13, $0x19000;
	s24 =	sadd.s32 $0x2580, s8;
	[sflag:s6] =	ssyncadd.s32 $0xFFFFE800  }
0x14b: {  	[hbm4b:s24+s2] =	stream.linear.scatter [tilespmem:s21], [sflag:$0x17], $0x3200, $0x38;
	[tilespmem:$0x1F740] =	vst v63  }
.Ltmp0:
0x14c: {  	_ =	swait.ge [sflag:s9], $0x1A00;
	(pc) =	sbr.rel @p1 .LBB2_2-.Ltmp0, $4  }
0x14d: {  	[sflag:s9] =	ssyncset.done $0x0  }
0x14e: {  	[sflag:s9] =	ssyncadd.s32 $0xFFFFE600  }
0x14f: {  	s16 =	smov.u32 s8;
	p2 =	sne.s32 s7, $0x0;
	_ =	swait.ge [sflag:s9], $0x1800  }
0x150: {  	s8 =	sadd.s32 $0x3200, s8;
	s20 =	sadd.s32 $0x2BC0, s16;
	[sflag:s9] =	ssyncset.done $0x0  }
0x151: {  	s13 =	simm.s32 @p2 $0x11;
	[sflag:s9] =	ssyncadd.s32 $0xFFFFE800;
	s11 =	simm.s32 $0x1C540  }
0x152: {  	[hbm4b:s20+s2] =	stream.linear.scatter [tilespmem:s11], [sflag:$0x18], $0x3200, $0x38;
	[tilespmem:$0x1F740] =	vst v63  }
0x153: {  	_ =	swait.ge @p2 [sflag:s13], $0x3200  }
0x154: {  	[sflag:s13] =	ssyncset.done @p2 $0x0  }
0x155: {  	s16 =	simm.s32 @p2 $0x12;
	[sflag:s13] =	ssyncadd.s32 @p2 $0xFFFFCE00;
	s13 =	simm.s32 @p2 $0x6740  }
0x156: {  	[tilespmem:s13], [sflag:$0x1] =	stream.linear.gather @p2 [spmem:s5], $0x3200, $0x38;
	[tilespmem:$0x1F740] =	vst v63  }
0x157: {  	_ =	swait.ge @p2 [sflag:s16], $0x3200  }
0x158: {  	[sflag:s16] =	ssyncset.done @p2 $0x0  }
0x159: {  	s13 =	simm.s32 @p2 $0x9940;
	[sflag:s16] =	ssyncadd.s32 @p2 $0xFFFFCE00;
	s16 =	simm.s32 @p2 $0x13  }
0x15a: {  	[tilespmem:s13], [sflag:$0x2] =	stream.linear.gather @p2 [spmem:s5], $0x3200, $0x38;
	[tilespmem:$0x1F740] =	vst v63  }
0x15b: {  	_ =	swait.ge @p2 [sflag:s16], $0x3200  }
0x15c: {  	[sflag:s16] =	ssyncset.done @p2 $0x0  }
0x15d: {  	s13 =	simm.s32 @p2 $0xCB40;
	[sflag:s16] =	ssyncadd.s32 @p2 $0xFFFFCE00;
	s16 =	simm.s32 @p2 $0x14  }
0x15e: {  	[tilespmem:s13], [sflag:$0x3] =	stream.linear.gather @p2 [spmem:s5], $0x3200, $0x38;
	[tilespmem:$0x1F740] =	vst v63  }
0x15f: {  	_ =	swait.ge @p2 [sflag:s16], $0x3200  }
0x160: {  	[sflag:s16] =	ssyncset.done @p2 $0x0  }
0x161: {  	s13 =	simm.s32 @p2 $0xFD40;
	[sflag:s16] =	ssyncadd.s32 @p2 $0xFFFFCE00;
	s16 =	simm.s32 @p2 $0x15  }
0x162: {  	[tilespmem:s13], [sflag:$0x4] =	stream.linear.gather @p2 [spmem:s5], $0x3200, $0x38;
	[tilespmem:$0x1F740] =	vst v63  }
0x163: {  	_ =	swait.ge @p2 [sflag:s16], $0x3200  }
0x164: {  	[sflag:s16] =	ssyncset.done @p2 $0x0  }
0x165: {  	s13 =	simm.s32 @p2 $0x12F40;
	[sflag:s16] =	ssyncadd.s32 @p2 $0xFFFFCE00;
	s16 =	simm.s32 @p2 $0x16  }
0x166: {  	[tilespmem:s13], [sflag:$0x5] =	stream.linear.gather @p2 [spmem:s5], $0x3200, $0x38;
	[tilespmem:$0x1F740] =	vst v63  }
0x167: {  	_ =	swait.ge @p2 [sflag:s16], $0x3200  }
0x168: {  	[sflag:s16] =	ssyncset.done @p2 $0x0  }
0x169: {  	s13 =	simm.s32 @p2 $0x16140;
	[sflag:s16] =	ssyncadd.s32 @p2 $0xFFFFCE00;
	s16 =	simm.s32 @p2 $0x17  }
0x16a: {  	[tilespmem:s13], [sflag:$0x6] =	stream.linear.gather @p2 [spmem:s5], $0x3200, $0x38;
	[tilespmem:$0x1F740] =	vst v63  }
0x16b: {  	_ =	swait.ge @p2 [sflag:s16], $0x3200  }
0x16c: {  	[sflag:s16] =	ssyncset.done @p2 $0x0  }
0x16d: {  	s13 =	simm.s32 @p2 $0x19340;
	[sflag:s16] =	ssyncadd.s32 @p2 $0xFFFFCE00;
	s16 =	simm.s32 @p2 $0x18  }
0x16e: {  	[tilespmem:s13], [sflag:$0x7] =	stream.linear.gather @p2 [spmem:s5], $0x3200, $0x38;
	[tilespmem:$0x1F740] =	vst v63  }
0x16f: {  	_ =	swait.ge @p2 [sflag:s16], $0x3200  }
0x170: {  	[sflag:s16] =	ssyncset.done @p2 $0x0  }
0x171: {  	s13 =	simm.s32 @!p2 $0x6740;
	[sflag:s16] =	ssyncadd.s32 @p2 $0xFFFFCE00  }
0x172: {  	[tilespmem:s13], [sflag:$0x1] =	stream.linear.gather @!p2 [spmem:s5], $0x3200, $0x38;
	[tilespmem:$0x1F740] =	vst v63  }
0x173: {  	s13 =	simm.s32 @!p2 $0x9940  }
0x174: {  	[tilespmem:s13], [sflag:$0x2] =	stream.linear.gather @!p2 [spmem:s5], $0x3200, $0x38;
	[tilespmem:$0x1F740] =	vst v63  }
0x175: {  	s13 =	simm.s32 @!p2 $0xCB40  }
0x176: {  	[tilespmem:s13], [sflag:$0x3] =	stream.linear.gather @!p2 [spmem:s5], $0x3200, $0x38;
	[tilespmem:$0x1F740] =	vst v63  }
0x177: {  	s13 =	simm.s32 @!p2 $0xFD40  }
0x178: {  	[tilespmem:s13], [sflag:$0x4] =	stream.linear.gather @!p2 [spmem:s5], $0x3200, $0x38;
	[tilespmem:$0x1F740] =	vst v63  }
0x179: {  	s13 =	simm.s32 @!p2 $0x12F40  }
0x17a: {  	[tilespmem:s13], [sflag:$0x5] =	stream.linear.gather @!p2 [spmem:s5], $0x3200, $0x38;
	[tilespmem:$0x1F740] =	vst v63  }
0x17b: {  	s13 =	simm.s32 @!p2 $0x16140  }
0x17c: {  	[tilespmem:s13], [sflag:$0x6] =	stream.linear.gather @!p2 [spmem:s5], $0x3200, $0x38;
	[tilespmem:$0x1F740] =	vst v63  }
0x17d: {  	s13 =	simm.s32 @!p2 $0x19340  }
0x17e: {  	[tilespmem:s13], [sflag:$0x7] =	stream.linear.gather @!p2 [spmem:s5], $0x3200, $0x38;
	[tilespmem:$0x1F740] =	vst v63  }
0x17f: {  	s10 =	simm.s32 $0x1  }
0x180: {  	[tilespmem:s11], [sflag:$0x8] =	stream.linear.gather [spmem:s5], $0x3200, $0x38;
	[tilespmem:$0x1F740] =	vst v63  }
0x181: {  	_ =	swait.ge [sflag:s10], $0x3200  }
0x182: {  	[sflag:s10] =	ssyncset.done $0x0  }
0x183: {  	s7 =	sshra.s32 s7, $0x2;
	s18 =	simm.s32 $0x6740;
	[sflag:s10] =	ssyncadd.s32 $0xFFFFCE00  }
0x184: {  	[tilespmem:s18], [sflag:$0x9] =	stream.indirect.gather.add.f32 [hbm:s3], $0x40, s7, s12, $0xb8;
	[tilespmem:$0x1F740] =	vst v63  }
0x185: {  	s24 =	simm.s32 $0x2;
	s22 =	sadd.s32 $0x68, s7;
	s21 =	rddreg [dreg:$0x5]  }
0x186: {  	[tilespmem:s21], [sflag:$0x9] =	stream.indirect.gather.add.f32 [hbm:s3], $0x40, s22, s14, $0xb8;
	[tilespmem:$0x1F740] =	vst v63  }
0x187: {  	_ =	swait.ge [sflag:s24], $0x3200  }
0x188: {  	[sflag:s24] =	ssyncset.done $0x0  }
0x189: {  	s20 =	simm.s32 $0x9940;
	s10 =	sadd.s32 $0xC8, s7;
	[sflag:s24] =	ssyncadd.s32 $0xFFFFCE00  }
0x18a: {  	[tilespmem:s20], [sflag:$0xA] =	stream.indirect.gather.add.f32 [hbm:s3], $0x40, s10, s12, $0xb8;
	[tilespmem:$0x1F740] =	vst v63  }
0x18b: {  	s19 =	simm.s32 $0x3;
	s17 =	sadd.s32 $0x130, s7;
	s15 =	rddreg [dreg:$0x6]  }
0x18c: {  	[tilespmem:s15], [sflag:$0xA] =	stream.indirect.gather.add.f32 [hbm:s3], $0x40, s17, s14, $0xb8;
	[tilespmem:$0x1F740] =	vst v63  }
0x18d: {  	_ =	swait.ge [sflag:s19], $0x3200  }
0x18e: {  	[sflag:s19] =	ssyncset.done $0x0  }
0x18f: {  	s21 =	sadd.s32 $0x190, s7;
	s10 =	simm.s32 $0xCB40;
	[sflag:s19] =	ssyncadd.s32 $0xFFFFCE00  }
0x190: {  	[tilespmem:s10], [sflag:$0xB] =	stream.indirect.gather.add.f32 [hbm:s3], $0x40, s21, s12, $0xb8;
	[tilespmem:$0x1F740] =	vst v63  }
0x191: {  	s24 =	sadd.s32 $0x1F8, s7;
	s15 =	simm.s32 $0x4;
	s22 =	rddreg [dreg:$0x7]  }
0x192: {  	[tilespmem:s22], [sflag:$0xB] =	stream.indirect.gather.add.f32 [hbm:s3], $0x40, s24, s14, $0xb8;
	[tilespmem:$0x1F740] =	vst v63  }
0x193: {  	_ =	swait.ge [sflag:s15], $0x3200  }
0x194: {  	[sflag:s15] =	ssyncset.done $0x0  }
0x195: {  	s16 =	sadd.s32 $0x258, s7;
	[sflag:s15] =	ssyncadd.s32 $0xFFFFCE00;
	s15 =	simm.s32 $0xFD40  }
0x196: {  	[tilespmem:s15], [sflag:$0xC] =	stream.indirect.gather.add.f32 [hbm:s3], $0x40, s16, s12, $0xb8;
	[tilespmem:$0x1F740] =	vst v63  }
0x197: {  	s19 =	sadd.s32 $0x2C0, s7;
	s21 =	simm.s32 $0x5;
	s17 =	rddreg [dreg:$0x8]  }
0x198: {  	[tilespmem:s17], [sflag:$0xC] =	stream.indirect.gather.add.f32 [hbm:s3], $0x40, s19, s14, $0xb8;
	[tilespmem:$0x1F740] =	vst v63  }
0x199: {  	_ =	swait.ge [sflag:s21], $0x3200  }
0x19a: {  	[sflag:s21] =	ssyncset.done $0x0  }
0x19b: {  	s22 =	sadd.s32 $0x320, s7;
	s17 =	simm.s32 $0x12F40;
	[sflag:s21] =	ssyncadd.s32 $0xFFFFCE00  }
0x19c: {  	[tilespmem:s17], [sflag:$0xD] =	stream.indirect.gather.add.f32 [hbm:s3], $0x40, s22, s12, $0xb8;
	[tilespmem:$0x1F740] =	vst v63  }
0x19d: {  	s19 =	sadd.s32 $0x388, s7;
	s24 =	rddreg [dreg:$0x9]  }
0x19e: {  	[tilespmem:s24], [sflag:$0xD] =	stream.indirect.gather.add.f32 [hbm:s3], $0x40, s19, s14, $0xb8;
	[tilespmem:$0x1F740] =	vst v63  }
0x19f: {  	_ =	swait.ge [sflag:s23], $0x3200  }
0x1a0: {  	[sflag:s23] =	ssyncset.done $0x0  }
0x1a1: {  	s21 =	sadd.s32 $0x3E8, s7;
	s19 =	simm.s32 $0x16140;
	[sflag:s23] =	ssyncadd.s32 $0xFFFFCE00  }
0x1a2: {  	[tilespmem:s19], [sflag:$0xE] =	stream.indirect.gather.add.f32 [hbm:s3], $0x40, s21, s12, $0xb8;
	[tilespmem:$0x1F740] =	vst v63  }
0x1a3: {  	s24 =	sadd.s32 $0x450, s7;
	s22 =	rddreg [dreg:$0xa]  }
0x1a4: {  	[tilespmem:s22], [sflag:$0xE] =	stream.indirect.gather.add.f32 [hbm:s3], $0x40, s24, s14, $0xb8;
	[tilespmem:$0x1F740] =	vst v63  }
0x1a5: {  	_ =	swait.ge [sflag:s25], $0x3200  }
0x1a6: {  	[sflag:s25] =	ssyncset.done $0x0  }
0x1a7: {  	s16 =	sadd.s32 $0x4B0, s7;
	s21 =	simm.s32 $0x19340;
	[sflag:s25] =	ssyncadd.s32 $0xFFFFCE00  }
0x1a8: {  	[tilespmem:s21], [sflag:$0xF] =	stream.indirect.gather.add.f32 [hbm:s3], $0x40, s16, s12, $0xb8;
	[tilespmem:$0x1F740] =	vst v63  }
0x1a9: {  	s24 =	sadd.s32 $0x518, s7;
	s22 =	rddreg [dreg:$0xb]  }
0x1aa: {  	[tilespmem:s22], [sflag:$0xF] =	stream.indirect.gather.add.f32 [hbm:s3], $0x40, s24, s14, $0xb8;
	[tilespmem:$0x1F740] =	vst v63  }
0x1ab: {  	_ =	swait.ge [sflag:s28], $0x3200  }
0x1ac: {  	[sflag:s28] =	ssyncset.done $0x0  }
0x1ad: {  	s22 =	sadd.s32 $0x578, s7;
	[sflag:s28] =	ssyncadd.s32 $0xFFFFCE00  }
0x1ae: {  	[tilespmem:s11], [sflag:$0x10] =	stream.indirect.gather.add.f32 [hbm:s3], $0x40, s22, s12, $0xb8;
	[tilespmem:$0x1F740] =	vst v63  }
0x1af: {  	s7 =	sadd.s32 $0x5E0, s7;
	s24 =	rddreg [dreg:$0xc]  }
0x1b0: {  	[tilespmem:s24], [sflag:$0x10] =	stream.indirect.gather.add.f32 [hbm:s3], $0x40, s7, s14, $0xb8;
	[tilespmem:$0x1F740] =	vst v63  }
0x1b1: {  	_ =	swait.ge [sflag:s29], $0x1A00  }
0x1b2: {  	[sflag:s29] =	ssyncset.done $0x0  }
0x1b3: {  	[sflag:s29] =	ssyncadd.s32 $0xFFFFE600  }
0x1b4: {  	_ =	swait.ge [sflag:s29], $0x1800  }
0x1b5: {  	[sflag:s29] =	ssyncset.done $0x0  }
0x1b6: {  	[sflag:s29] =	ssyncadd.s32 $0xFFFFE800  }
0x1b7: {  	[hbm4b:s8+s2] =	stream.linear.scatter [tilespmem:s18], [sflag:$0x11], $0x3200, $0x38;
	[tilespmem:$0x1F740] =	vst v63  }
0x1b8: {  	_ =	swait.ge [sflag:s30], $0x1A00  }
0x1b9: {  	[sflag:s30] =	ssyncset.done $0x0  }
0x1ba: {  	[sflag:s30] =	ssyncadd.s32 $0xFFFFE600  }
0x1bb: {  	_ =	swait.ge [sflag:s30], $0x1800  }
0x1bc: {  	[sflag:s30] =	ssyncset.done $0x0  }
0x1bd: {  	s13 =	sadd.s32 $0x640, s8;
	[sflag:s30] =	ssyncadd.s32 $0xFFFFE800  }
0x1be: {  	[hbm4b:s13+s2] =	stream.linear.scatter [tilespmem:s20], [sflag:$0x12], $0x3200, $0x38;
	[tilespmem:$0x1F740] =	vst v63  }
0x1bf: {  	_ =	swait.ge [sflag:s31], $0x1A00  }
0x1c0: {  	[sflag:s31] =	ssyncset.done $0x0  }
0x1c1: {  	[sflag:s31] =	ssyncadd.s32 $0xFFFFE600  }
0x1c2: {  	_ =	swait.ge [sflag:s31], $0x1800  }
0x1c3: {  	[sflag:s31] =	ssyncset.done $0x0  }
0x1c4: {  	s16 =	sadd.s32 $0xC80, s8;
	[sflag:s31] =	ssyncadd.s32 $0xFFFFE800  }
0x1c5: {  	[hbm4b:s16+s2] =	stream.linear.scatter [tilespmem:s10], [sflag:$0x13], $0x3200, $0x38;
	[tilespmem:$0x1F740] =	vst v63  }
0x1c6: {  	_ =	swait.ge [sflag:s1], $0x1A00  }
0x1c7: {  	[sflag:s1] =	ssyncset.done $0x0  }
0x1c8: {  	[sflag:s1] =	ssyncadd.s32 $0xFFFFE600  }
0x1c9: {  	_ =	swait.ge [sflag:s1], $0x1800  }
0x1ca: {  	[sflag:s1] =	ssyncset.done $0x0  }
0x1cb: {  	s18 =	sadd.s32 $0x12C0, s8;
	[sflag:s1] =	ssyncadd.s32 $0xFFFFE800  }
0x1cc: {  	[hbm4b:s18+s2] =	stream.linear.scatter [tilespmem:s15], [sflag:$0x14], $0x3200, $0x38;
	[tilespmem:$0x1F740] =	vst v63  }
0x1cd: {  	_ =	swait.ge [sflag:s0], $0x1A00  }
0x1ce: {  	[sflag:s0] =	ssyncset.done $0x0  }
0x1cf: {  	[sflag:s0] =	ssyncadd.s32 $0xFFFFE600  }
0x1d0: {  	_ =	swait.ge [sflag:s0], $0x1800  }
0x1d1: {  	[sflag:s0] =	ssyncset.done $0x0  }
0x1d2: {  	s20 =	sadd.s32 $0x1900, s8;
	[sflag:s0] =	ssyncadd.s32 $0xFFFFE800  }
0x1d3: {  	[hbm4b:s20+s2] =	stream.linear.scatter [tilespmem:s17], [sflag:$0x15], $0x3200, $0x38;
	[tilespmem:$0x1F740] =	vst v63  }
0x1d4: {  	_ =	swait.ge [sflag:s4], $0x1A00  }
0x1d5: {  	[sflag:s4] =	ssyncset.done $0x0  }
0x1d6: {  	[sflag:s4] =	ssyncadd.s32 $0xFFFFE600  }
0x1d7: {  	_ =	swait.ge [sflag:s4], $0x1800  }
0x1d8: {  	[sflag:s4] =	ssyncset.done $0x0  }
0x1d9: {  	s22 =	sadd.s32 $0x1F40, s8;
	[sflag:s4] =	ssyncadd.s32 $0xFFFFE800  }
0x1da: {  	[hbm4b:s22+s2] =	stream.linear.scatter [tilespmem:s19], [sflag:$0x16], $0x3200, $0x38;
	[tilespmem:$0x1F740] =	vst v63  }
0x1db: {  	_ =	swait.ge [sflag:s6], $0x1A00  }
0x1dc: {  	[sflag:s6] =	ssyncset.done $0x0  }
0x1dd: {  	[sflag:s6] =	ssyncadd.s32 $0xFFFFE600  }
0x1de: {  	_ =	swait.ge [sflag:s6], $0x1800  }
0x1df: {  	[sflag:s6] =	ssyncset.done $0x0  }
0x1e0: {  	s24 =	sadd.s32 $0x2580, s8;
	[sflag:s6] =	ssyncadd.s32 $0xFFFFE800  }
0x1e1: {  	[hbm4b:s24+s2] =	stream.linear.scatter [tilespmem:s21], [sflag:$0x17], $0x3200, $0x38;
	[tilespmem:$0x1F740] =	vst v63  }
0x1e2: {  	_ =	swait.ge [sflag:s9], $0x1A00  }
0x1e3: {  	[sflag:s9] =	ssyncset.done $0x0  }
0x1e4: {  	[sflag:s9] =	ssyncadd.s32 $0xFFFFE600  }
0x1e5: {  	_ =	swait.ge [sflag:s9], $0x1800  }
0x1e6: {  	[sflag:s9] =	ssyncset.done $0x0  }
0x1e7: {  	s13 =	simm.s32 $0x11;
	s10 =	sadd.s32 $0x2BC0, s8;
	[sflag:s9] =	ssyncadd.s32 $0xFFFFE800  }
0x1e8: {  	[hbm4b:s10+s2] =	stream.linear.scatter [tilespmem:s11], [sflag:$0x18], $0x3200, $0x38;
	[tilespmem:$0x1F740] =	vst v63  }
0x1e9: {  	_ =	swait.ge [sflag:s13], $0x3200  }
0x1ea: {  	[sflag:s13] =	ssyncset.done $0x0  }
0x1eb: {  	s15 =	simm.s32 $0x12;
	[sflag:s13] =	ssyncadd.s32 $0xFFFFCE00  }
0x1ec: {  	_ =	swait.ge [sflag:s15], $0x3200  }
0x1ed: {  	[sflag:s15] =	ssyncset.done $0x0  }
0x1ee: {  	s16 =	simm.s32 $0x13;
	[sflag:s15] =	ssyncadd.s32 $0xFFFFCE00  }
0x1ef: {  	_ =	swait.ge [sflag:s16], $0x3200  }
0x1f0: {  	[sflag:s16] =	ssyncset.done $0x0  }
0x1f1: {  	s17 =	simm.s32 $0x14;
	[sflag:s16] =	ssyncadd.s32 $0xFFFFCE00  }
0x1f2: {  	_ =	swait.ge [sflag:s17], $0x3200  }
0x1f3: {  	[sflag:s17] =	ssyncset.done $0x0  }
0x1f4: {  	s18 =	simm.s32 $0x15;
	[sflag:s17] =	ssyncadd.s32 $0xFFFFCE00  }
0x1f5: {  	_ =	swait.ge [sflag:s18], $0x3200  }
0x1f6: {  	[sflag:s18] =	ssyncset.done $0x0  }
0x1f7: {  	s19 =	simm.s32 $0x16;
	[sflag:s18] =	ssyncadd.s32 $0xFFFFCE00  }
0x1f8: {  	_ =	swait.ge [sflag:s19], $0x3200  }
0x1f9: {  	[sflag:s19] =	ssyncset.done $0x0  }
0x1fa: {  	s20 =	simm.s32 $0x17;
	[sflag:s19] =	ssyncadd.s32 $0xFFFFCE00  }
0x1fb: {  	_ =	swait.ge [sflag:s20], $0x3200  }
0x1fc: {  	[sflag:s20] =	ssyncset.done $0x0  }
0x1fd: {  	s21 =	simm.s32 $0x18;
	[sflag:s20] =	ssyncadd.s32 $0xFFFFCE00  }
0x1fe: {  	_ =	swait.ge [sflag:s21], $0x3200  }
0x1ff: {  	s22 =	rddreg [dreg:$0x11]  }
0x200: {  	s24 =	rddreg [dreg:$0xe];
	s10 =	sadd.s32 $0x1, s22  }
0x201: {  	p1 =	sne.s32 s10, s24  }
.Ltmp1:
0x202: {  	_ = 	snop;
	(pc) =	sbr.rel @p1 .LBB2_1-.Ltmp1, $3  }
0x203: {  	_ =	sdelay $0x1  }
0x204: {  	[sflag:s21] =	ssyncset.done $0x0  }
0x205: {  	[sflag:s21] =	ssyncadd.s32 $0xFFFFCE00  }
0x206: {  	_ =	sfence.sel $0x180000  }
0x207: {  	[bflag:$0x0] =	sbarrier.arrive $0xFFFF  }
0x208: {  	_ =	strace $0x90000047  }
0x209: {  	[bflag:$0x2] =	sbarrier.arrive $0xFFFF  }
0x20a: {  	s0 =	rddreg [dreg:$0x4]  }
0x20b: {  	s0 =	sadd.s32 @!p0 $0x100000, s0  }
0x20c: {  	[sflag:s0] =	ssyncadd.tile.s32 @!p0 $0x1;
	_ =	shalt  }
.Lfunc_end2:
_tile_overlayer_lowered:
.L_overlay_start_2:
0x20d: {  	(tag) =	ssettag $0x2  }
0x20e: {  	s0 =	rddreg [dreg:$0x0];
	s2 =	stileid.u32  }
0x20f: {  	s1 =	rddreg [dreg:$0x1];
	p0 =	sne.s32 s2, $0x0  }
0x210: {  	s3 =	rddreg [dreg:$0x2];
	[bflag:$0x3] =	sbarrier.arrive $0xFFFF;
	s2 =	simm.s32 @!p0 $0x1C19  }
0x211: {  	[timem:s3], [sflag:s2] =	dma.local @!p0 [hbm:s0], s1  }
0x212: {  	s0 =	simm.s32 @!p0 $0x19  }
0x213: {  	_ =	swait.ge @!p0 [sflag:s0], s1  }
0x214: {  	s1 =	ssub.s32 @!p0 $0x0, s1;
	[sflag:s0] =	ssyncset.done @!p0 $0x0  }
0x215: {  	[sflag:s0] =	ssyncadd.s32 @!p0 s1  }
0x216: {  	[bflag:$0x3] =	sbarrier.arrive $0xFFFF  }
0x217: {  	_ =	shalt  }

// kernel: sparse-core-data-format-call.cloned.1.call-start
scs
called_computation_lowered:
.L_overlay_start_0:
0x0: {  	s2 =	sld [smem:$0x3FD9]  }
0x1: {  	s3 =	sld [smem:$0x3FFE];
	_ =	sdelay $0x1  }
0x2: {  	s1 =	srdreg.scid  }
0x3: {  	s0 =	sand.u32 $0x1, s1  }
0x4: {  	s15 =	sshll.u32 s0, $0xA;
	s2 =	sadd.s32 s3, s2  }
0x5: {  	s2 =	sadd.s32 s2, s15  }
0x6: {  	[smem:$0x3FC5] =	sst s2  }
0x7: {  	_ = 	snop  }
0x8: {  	s2 =	sld [smem:$0x3FD0];
	_ =	sdelay $0x2  }
0x9: {  	s16 =	simm.s32 $0xA;
	s4 =	simm.s32 $0x10  }
0xa: {  	[smem:s4], [sflag:s16] =	dma.local [hbm:s2], $0x1  }
0xb: {  	_ =	swait.eq [sflag:s16], $0x1  }
0xc: {  	[sflag:s16] =	ssyncset.done $0x0  }
0xd: {  	[sflag:s16] =	ssyncadd.s32 $0xFFFFFFFF  }
0xe: {  	s17 =	sld [smem:$0x10];
	(tm) =	ssettm $0x1  }
0xf: {  	s18 =	sld [smem:$0x3FFB];
	_ =	sdelay $0x3  }
0x10: {  	_ =	strace s18  }
0x11: {  	s3 =	sld [smem:$0x3FFC];
	_ =	sdelay $0x3  }
0x12: {  	_ =	strace s3  }
0x13: {  	s3 =	sld [smem:$0x3FFD];
	_ =	sdelay $0x3  }
0x14: {  	_ =	strace s3  }
0x15: {  	_ =	strace $0x8FFFFFFF  }
0x16: {  	s19 =	sld [smem:$0x3FDB];
	_ =	sdelay $0x1  }
0x17: {  	s20 =	simm.s32 $_scs_section_size  }
0x18: {  	s5 =	simm.s32 $_size__tile_overlayer_lowered;
	s6 =	simm.s32 $_tile_overlayer_lowered  }
0x19: {  	s23 =	simm.s32 $0x1BFF;
	s22 =	sshll.u32 s6, $0x1;
	s3 =	sadd.s32 s20, s19  }
0x1a: {  	s7 =	simm.s32 $0x0;
	s21 =	sshll.u32 s5, $0x1;
	s5 =	sadd.s32 s22, s3  }
0x1b: {  	[timem:s7], [sflag:s23] =	dma.local [hbm:s5], s21  }
0x1c: {  	_ =	swait.ge [sflag:s23], s21  }
0x1d: {  	s4 =	ssub.s32 $0x0, s21;
	[sflag:s23] =	ssyncset.done $0x0  }
0x1e: {  	[sflag:s23] =	ssyncadd.s32 s4;
	_ =	sdelay $0x1  }
0x1f: {  	s24 =	simm.s32 $0x1B8B  }
0x20: {  	_ =	swait.ge [sflag:s24], $0x1  }
0x21: {  	[sflag:s24] =	ssyncset.done $0x0  }
0x22: {  	s26 =	simm.s32 $0x1B8E;
	s25 =	sld [smem:$0x3FFE];
	[sflag:s24] =	ssyncadd.s32 $0xFFFFFFFF  }
0x23: {  	s27 =	simm.s32 $execute0_lowered;
	[smem:$0x3FD2] =	sst s26  }
0x24: {  	s5 =	sshll.u32 s27, $0x1;
	_ =	strace $0x80000049;
	[dreg:$0x1] =	wrdreg $0xFFFFFFFF  }
0x25: {  	s28 =	simm.s32 $_size_execute0_lowered;
	s3 =	sadd.s32 s3, s5;
	[dreg:$0x0] =	wrdreg $0x0  }
0x26: {  	s5 =	sshll.u32 s28, $0x1;
	[dreg:$0x2] =	wrdreg s3  }
0x27: {  	[dreg:$0x3] =	wrdreg s5  }
0x28: {  	[dreg:$0x4] =	wrdreg $0xC0  }
0x29: {  	_ =	task [dreg:s7], $0x5FFFF  }
0x2a: {  	[dreg:$0x1] =	wrdreg $0xFFFFFFFF  }
0x2b: {  	[dreg:$0x0] =	wrdreg $0x60  }
0x2c: {  	[dreg:$0x2] =	wrdreg s25  }
0x2d: {  	[dreg:$0x3] =	wrdreg s17  }
0x2e: {  	[dreg:$0x4] =	wrdreg $0x9  }
0x2f: {  	_ =	task.clear_ibuf [dreg:s7], $0x5FFFF;
	_ =	strace $0x90000049  }
0x30: {  	s29 =	simm.s32 $0x9;
	_ =	strace $0x8000004B  }
0x31: {  	_ =	swait.ge [sflag:s29], $0x1  }
0x32: {  	[sflag:s29] =	ssyncadd.s32 $0xFFFFFFFF  }
0x33: {  	_ =	strace $0x9000004B  }
0x34: {  	_ =	sfence  }
0x35: {  	s30 =	sld [smem:$0x0];
	_ =	sdelay $0x2  }
0x36: {  	s31 =	sshll.u32 s1, $0xD;
	s1 =	sshrl.u32 s1, $0x2  }
0x37: {  	s3 =	sand.u32 $0x4000, s31;
	s1 =	sadd.s32 s1, s30  }
0x38: {  	s0 =	sor.u32 s3, s0;
	s1 =	sshll.u32 s1, $0x11  }
0x39: {  	s0 =	sor.u32 s1, s0  }
0x3a: {  	s0 =	sadd.s32 $0x8F2B, s0  }
0x3b: {  	[sflag:s0] =	ssyncadd.remote.s32 $0x1  }
0x3c: {  	_ =	sfence.sel $0xFFFF  }
0x3d: {  	[dreg:$0x0] =	wrdreg $0xFFFFFFFF;
	(pc) =	sbr.abs _section_cstart, $3  }
0x3e: {  	[dreg:$0x1] =	wrdreg $0xFFFFFFFF  }
0x3f: {  	_ =	task.clear_ibuf [dreg:s7], $0x2FFFF;
	_ =	strace $0x9FFFFFFF  }
0x40: {  	(tm) =	ssettm $0x7FFFFFFF  }
0x41: {  	_ =	shalt  }
tec
execute0_lowered:
.L_overlay_start_1:
0x0: {  	(tag) =	ssettag $0x1  }
0x1: {  	s0 =	srdreg.scid  }
0x2: {  	s1 =	sshll.u32 s0, $0x4  }
0x3: {  	s0 =	stileid.u32;
	s1 =	sand.u32 $0x10, s1  }
0x4: {  	s1 =	sor.u32 s0, s1  }
0x5: {  	s6 =	rddreg [dreg:$0x0];
	s4 =	simm.s32 $0x1;
	s2 =	sshll.u32 s1, $0x7  }
0x6: {  	s7 =	simm.s32 $0x2;
	s12 =	simm.s32 $0x0;
	s1 =	ssub.s32 $0x1000, s2  }
0x7: {  	s8 =	simm.s32 $0x8000;
	s13 =	simm.s32 $0x0;
	s3 =	sand.u32 $0xF80, s1  }
0x8: {  	s9 =	simm.s32 $0x0;
	s5 =	sshrl.u32 s1, $0xC;
	p0 =	sne.s32 s3, $0x0  }
.Ltmp0:
0x9: {  	s1 =	rddreg [dreg:$0x2];
	s4 =	simm.s32 @!p0 $0x0;
	(pc) =	sbr.rel .LBB1_1-.Ltmp0, $4  }
0xa: {  	s11 =	simm.s32 $0x0;
	s3 =	rddreg [dreg:$0x1];
	s5 =	sadd.s32 s4, s5  }
0xb: {  	_ =	strace $0x8000004A;
	s4 =	simm.s32 $0x1;
	s5 =	smul.u32 $0xC8, s5  }
0xc: {  	s6 =	sadd.s32 $0x20C00, s6;
	s10 =	smov.u32 s2;
	[sflag:s4] =	ssyncpa.u1 $0x0  }
0xd: {  	p0 =	por $0x0, $0x0;
	[sflag:s7] =	ssyncpa.u1 $0x0;
	s7 =	sor.u32 $0x1, s5  }
.LBB1_4:
0xe: {  	s16 =	sshll.u32 s13, $0x3;
	s17 =	sand.u32 $0x78, s13  }
0xf: {  	s30 =	sand.u32 $0x7E00, s13;
	s12 =	sshll.u32 s12, $0xF;
	s16 =	sand.u32 $0xC00, s16  }
0x10: {  	[tilespmem:s15+$0x810 ss:$0x81] =	vst.msk $0xffff, v2;
	s31 =	sand.u32 $0x7, s13;
	s16 =	sor.u32 s17, s16;
	s17 =	sadd.s32 s3, s30  }
0x11: {  	[tilespmem:s15+$0x1020 ss:$0x81] =	vst.msk $0xffff, v0;
	s13 =	sshll.u32 s31, $0x12;
	s12 =	sadd.s32 s12, s17;
	s16 =	sshrl.u32 s16, $0x3  }
0x12: {  	[tilespmem:s15+$0x0 ss:$0x81] =	vst.msk $0xffff, v1;
	s13 =	sor.u32 $0x400, s13;
	s12 =	sadd.s32 s16, s12  }
0x13: {  	[hbm4b:s12+s13] =	stream.strided.scatter [tilespmem:s14], [sflag:$0x2], $0x2000, s8, s13, $0x20;
	[tilespmem:$0x8080] =	vst v63  }
.LBB1_5:
0x14: {  	s14 =	sadd.s32 $0x1, s9  }
0x15: {  	s12 =	sadd.s32 $0x1000, s10;
	s16 =	smov.u32 s10;
	p2 =	sgt.s32 s14, $0xC7  }
0x16: {  	s16 =	smov.u32 @p2 s12  }
0x17: {  	s14 =	simm.s32 @p2 $0x0;
	p2 =	sgt.s32 s16, $0xFFF  }
0x18: {  	s16 =	smov.u32 @p2 s2;
	p2 =	sne.s32 s11, s7  }
.Ltmp1:
0x19: {  	p1 =	slt.u32 s11, $0x2;
	(pc) =	sbr.rel @!p2 .LBB1_6-.Ltmp1, $4  }
0x1a: {  	s15 =	simm.s32 @!p1 $0x2  }
0x1b: {  	s13 =	smov.u32 s10;
	p0 =	por !p0, !p0;
	_ =	swait.ge @!p1 [sflag:s15], $0x2000  }
0x1c: {  	s12 =	smov.u32 s9;
	[sflag:s15] =	ssyncset.done @!p1 $0x0;
	s9 =	smov.u32 s14  }
0x1d: {  	s11 =	sadd.s32 $0x1, s11;
	[sflag:s15] =	ssyncadd.s32 @!p1 $0xFFFFE000;
	s10 =	smov.u32 s16  }
.LBB1_1:
0x1e: {  	p1 =	sge.u32 s11, s5  }
0x1f: {  	s14 =	sand.u32 @!p1 $0x1FFFFFF, s9  }
0x20: {  	s15 =	smulhi.u32 @!p1 $0x147AE15, s14;
	_ =	sdelay $0x1  }
0x21: {  	s15 =	smul.u32 @!p1 $0xC8, s15  }
0x22: {  	s16 =	sxor.u32 @!p1 $0xFFFFFFFF, s11;
	s17 =	smul.u32 @!p1 $0xC80, s10  }
0x23: {  	s31 =	sadd.s32 $0xFFFFFFFF, s11;
	s16 =	sshll.u32 @!p1 s16, $0xD;
	s14 =	ssub.s32 @!p1 s14, s15  }
0x24: {  	s15 =	sand.u32 @!p1 $0x2000, s16;
	s16 =	sadd.s32 @!p1 s6, s17;
	s14 =	sshll.u32 @!p1 s14, $0x4  }
0x25: {  	s17 =	simm.s32 @!p1 $0x6400;
	s14 =	sadd.s32 @!p1 s14, s16;
	s16 =	simm.s32 @!p1 $0x40  }
0x26: {  	[tilespmem:s15], [sflag:$0x1] =	stream.strided.gather @!p1 [hbm4b:s14+s16], $0x2000, s17, s16, $0x38;
	[tilespmem:$0x8080] =	vst v63  }
0x27: {  	p1 =	sge.u32 s31, s5  }
.Ltmp2:
0x28: {  	_ = 	snop;
	(pc) =	sbr.rel @p1 .LBB1_5-.Ltmp2, $1  }
0x29: {  	_ =	sdelay $0x3  }
0x2a: {  	s14 =	simm.s32 $0x1  }
0x2b: {  	_ =	swait.ge [sflag:s4], $0x2000;
	s14 =	simm.s32 @!p0 $0x0  }
0x2c: {  	[sflag:s4] =	ssyncset.done $0x0;
	s15 =	sshll.u32 s14, $0xD  }
0x2d: {  	[sflag:s4] =	ssyncadd.s32 $0xFFFFE000;
	s18 =	sor.u32 $0x20, s15  }
0x2e: {  	s14 =	smul.u32 $0x8100, s14;
	v3 =	vld [tilespmem:s18+$0x10]  }
0x2f: {  	s30 =	sand.u32 $0x1, s11;
	v2 =	vld [tilespmem:s18+$0xFFFFFFF0]  }
0x30: {  	s15 =	smul.u32 $0x8100, s30;
	s14 =	sshrl.u32 s14, $0x2;
	v0 =	vld [tilespmem:s18+$0x0]  }
0x31: {  	v1 =	vld [tilespmem:s18+$0xFFFFFFE0];
	s16 =	sor.u32 $0x4000, s14  }
0x32: {  	s31 =	sshrl.u32 s15, $0x2;
	s15 =	sadd.s32 $0x0, s16  }
0x33: {  	s17 =	simm.s32 $0x4;
	s18 =	sadd.s32 $0x40, s18;
	s14 =	sor.u32 $0x4000, s31;
	[tilespmem:s15+$0x1830 ss:$0x81] =	vst.msk $0xffff, v3  }
.LBB1_3:
0x34: {  	v3 =	vld [tilespmem:s18+$0x10];
	p1 =	sne.s32 s17, $0x1FC;
	[tilespmem:s15+$0x810 ss:$0x81] =	vst.msk $0xffff, v2;
	s19 =	smov.u32 s17;
	s17 =	sadd.s32 $0x4, s17  }
.Ltmp3:
0x35: {  	v2 =	vld [tilespmem:s18+$0xFFFFFFF0];
	[tilespmem:s15+$0x1020 ss:$0x81] =	vst.msk $0xffff, v0;
	(pc) =	sbr.rel @p1 .LBB1_3-.Ltmp3, $4  }
0x36: {  	v0 =	vld [tilespmem:s18+$0x0];
	[tilespmem:s15+$0x0 ss:$0x81] =	vst.msk $0xffff, v1  }
0x37: {  	s15 =	sshra.s32 s19, $0x2;
	v1 =	vld [tilespmem:s18+$0xFFFFFFE0]  }
0x38: {  	s15 =	sadd.s32 s15, s16  }
0x39: {  	s18 =	sadd.s32 $0x40, s18;
	[tilespmem:s15+$0x1830 ss:$0x81] =	vst.msk $0xffff, v3  }
.Ltmp4:
0x3a: {  	_ = 	snop;
	(pc) =	sbr.rel .LBB1_4-.Ltmp4, $1  }
0x3b: {  	_ =	sdelay $0x3  }
.LBB1_6:
0x3c: {  	_ =	sfence.sel $0x180000  }
0x3d: {  	s2 =	simm.s32 $0x1;
	[bflag:$0x0] =	sbarrier.arrive $0xFFFF  }
0x3e: {  	s31 =	simm.s32 $0x2;
	[sflag:s2] =	ssyncpa.u1 $0x1  }
0x3f: {  	[sflag:s31] =	ssyncpa.u1 $0x1  }
0x40: {  	p0 =	sne.s32 s0, $0x0;
	_ =	strace $0x9000004A  }
0x41: {  	s0 =	sadd.s32 @!p0 $0x100000, s1;
	[bflag:$0x2] =	sbarrier.arrive $0xFFFF  }
0x42: {  	[sflag:s0] =	ssyncadd.tile.s32 @!p0 $0x1;
	_ =	shalt  }
.Lfunc_end1:
_tile_overlayer_lowered:
.L_overlay_start_2:
0x43: {  	(tag) =	ssettag $0x2  }
0x44: {  	s0 =	rddreg [dreg:$0x0];
	s2 =	stileid.u32  }
0x45: {  	s1 =	rddreg [dreg:$0x1];
	p0 =	sne.s32 s2, $0x0  }
0x46: {  	s3 =	rddreg [dreg:$0x2];
	[bflag:$0x3] =	sbarrier.arrive $0xFFFF;
	s2 =	simm.s32 @!p0 $0x1C01  }
0x47: {  	[timem:s3], [sflag:s2] =	dma.local @!p0 [hbm:s0], s1  }
0x48: {  	s0 =	simm.s32 @!p0 $0x1  }
0x49: {  	_ =	swait.ge @!p0 [sflag:s0], s1  }
0x4a: {  	s1 =	ssub.s32 @!p0 $0x0, s1;
	[sflag:s0] =	ssyncset.done @!p0 $0x0  }
0x4b: {  	[sflag:s0] =	ssyncadd.s32 @!p0 s1  }
0x4c: {  	[bflag:$0x3] =	sbarrier.arrive $0xFFFF  }
0x4d: {  	_ =	shalt  }

</sc_bundles>
